<compile_context>
chip_gen: v7x
topology: tpu7x:2x2x1
jax: 0.10.2.dev20260603
libtpu: 0.0.44.dev20260713+nightly
codegen_flags: <defaults>
</compile_context>

<pallas_src>
import functools

import jax
import jax.numpy as jnp
from jax import lax
from jax.experimental import pallas as pl
from jax.experimental.pallas import tpu as pltpu, tpu_sc as plsc

N = 10000
E = 320000
F_IN = 128
H = 64

NC = 2
NS = 16
NW = NC * NS
CHUNK = 128
EPW = E // NW
NFC = EPW // CHUNK
REM = EPW - NFC * CHUNK
NP = 10112
RPT = NP // NS
NBUF = 6
LOOKAHEAD = NBUF - 2
CW = 16


def _mm2_body(x_ref, wl_ref, wr_ref, b_ref, y_ref, z_ref):
    xb = x_ref[...]
    dn = (((1,), (1,)), ((), ()))
    y_ref[...] = lax.dot_general(xb, wl_ref[...], dn,
                                 preferred_element_type=jnp.float32)
    z_ref[...] = lax.dot_general(xb, wr_ref[...], dn,
                                 preferred_element_type=jnp.float32) + b_ref[...]


def _dual_matmul(x, wl, wr, b_row):
    blk = 1000
    grid = N // blk
    return pl.pallas_call(
        _mm2_body,
        grid=(grid,),
        in_specs=[
            pl.BlockSpec((blk, F_IN), lambda i: (i, 0)),
            pl.BlockSpec((H, F_IN), lambda i: (0, 0)),
            pl.BlockSpec((H, F_IN), lambda i: (0, 0)),
            pl.BlockSpec((1, H), lambda i: (0, 0)),
        ],
        out_specs=[
            pl.BlockSpec((blk, H), lambda i: (i, 0)),
            pl.BlockSpec((blk, H), lambda i: (i, 0)),
        ],
        out_shape=[
            jax.ShapeDtypeStruct((NP, H), jnp.float32),
            jax.ShapeDtypeStruct((NP, H), jnp.float32),
        ],
    )(x, wl, wr, b_row)


def _sc_body(y_hbm, edge_hbm,
             agg_out, cnt_out,
             agg_sh, cnt_sh,
             src_v, dst_v, rows_v, ones_v, rows16_v,
             gsem, ssem, csem):
    c = lax.axis_index("c")
    s = lax.axis_index("s")
    w = c * NS + s

    pltpu.async_copy(edge_hbm.at[0].at[pl.ds(w * EPW, EPW)], src_v, gsem)
    pltpu.async_copy(edge_hbm.at[1].at[pl.ds(w * EPW, EPW)], dst_v, gsem)

    def zero_init(j, carry):
        for k in range(H // 16):
            rows_v[0, j, pl.ds(k * 16, 16)] = jnp.zeros((16,), jnp.float32)
        ones_v[j] = jnp.zeros((16,), jnp.float32)
        return carry

    lax.fori_loop(0, CHUNK, zero_init, 0)

    for off, n in ((0, 128), (128, 128), (256, 128), (384, 128), (512, 120)):
        pltpu.sync_copy(rows_v.at[0].at[pl.ds(0, n)],
                        agg_sh.at[pl.ds(s * RPT + off, n)])
        pltpu.sync_copy(ones_v.at[pl.ds(0, n)],
                        cnt_sh.at[pl.ds(s * RPT + off, n)])

    def ones_init(j, carry):
        ones_v[j] = jnp.ones((16,), jnp.float32)
        return carry

    lax.fori_loop(0, CHUNK, ones_init, 0)

    pltpu.make_async_copy(edge_hbm.at[0].at[pl.ds(w * EPW, EPW)], src_v,
                          gsem).wait()
    pltpu.make_async_copy(edge_hbm.at[1].at[pl.ds(w * EPW, EPW)], dst_v,
                          gsem).wait()

    plsc.subcore_barrier()

    def sidx(j):
        return src_v.at[pl.ds(j * CHUNK, CHUNK)]

    def didx(j):
        return dst_v.at[pl.ds(j * CHUNK, CHUNK)]

    for p in range(LOOKAHEAD):
        pltpu.async_copy(y_hbm.at[sidx(p)], rows_v.at[p], gsem)

    def chunk_step(j, carry):
        b = lax.rem(j, NBUF)

        pltpu.make_async_copy(y_hbm.at[sidx(j)], rows_v.at[b], gsem).wait()

        @pl.when(j >= 2)
        def _wait_prev_scatter():
            pltpu.make_async_copy(rows_v.at[b], agg_sh.at[didx(j)],
                                  ssem).wait()
            pltpu.make_async_copy(ones_v, cnt_sh.at[didx(j)], csem).wait()

        @pl.when(j + LOOKAHEAD < NFC)
        def _prefetch_next():
            pltpu.async_copy(y_hbm.at[sidx(j + LOOKAHEAD)],
                             rows_v.at[lax.rem(j + LOOKAHEAD, NBUF)], gsem)

        pltpu.async_copy(rows_v.at[b], agg_sh.at[didx(j)], ssem, add=True)
        pltpu.async_copy(ones_v, cnt_sh.at[didx(j)], csem, add=True)
        return carry

    lax.fori_loop(0, NFC, chunk_step, 0)

    for t in (NFC - 2, NFC - 1):
        pltpu.make_async_copy(rows_v.at[lax.rem(t, NBUF)],
                              agg_sh.at[didx(t)], ssem).wait()
        pltpu.make_async_copy(ones_v, cnt_sh.at[didx(t)], csem).wait()

    rs = src_v.at[pl.ds(NFC * CHUNK, REM)]
    rd = dst_v.at[pl.ds(NFC * CHUNK, REM)]
    pltpu.sync_copy(y_hbm.at[rs], rows16_v)
    pltpu.sync_copy(rows16_v, agg_sh.at[rd], add=True)
    pltpu.sync_copy(ones_v.at[pl.ds(0, REM)], cnt_sh.at[rd], add=True)

    plsc.subcore_barrier()

    pltpu.sync_copy(agg_sh.at[pl.ds(s * RPT, RPT)],
                    agg_out.at[c].at[pl.ds(s * RPT, RPT)])
    pltpu.sync_copy(cnt_sh.at[pl.ds(s * RPT, RPT)],
                    cnt_out.at[c].at[pl.ds(s * RPT, RPT)])


_sc_aggregate = pl.kernel(
    _sc_body,
    out_type=[
        jax.ShapeDtypeStruct((NC, NP, H), jnp.float32),
        jax.ShapeDtypeStruct((NC, NP, CW), jnp.float32),
    ],
    mesh=plsc.VectorSubcoreMesh(core_axis_name="c", subcore_axis_name="s"),
    compiler_params=pltpu.CompilerParams(use_tc_tiling_on_sc=False),
    scratch_types=[
        pltpu.VMEM_SHARED((NP, H), jnp.float32),
        pltpu.VMEM_SHARED((NP, CW), jnp.float32),
        pltpu.VMEM((EPW,), jnp.int32),
        pltpu.VMEM((EPW,), jnp.int32),
        pltpu.VMEM((NBUF, CHUNK, H), jnp.float32),
        pltpu.VMEM((CHUNK, CW), jnp.float32),
        pltpu.VMEM((REM, H), jnp.float32),
        pltpu.SemaphoreType.DMA,
        pltpu.SemaphoreType.DMA,
        pltpu.SemaphoreType.DMA,
    ],
)


RPB = 313


def _fin_sc_body(agg_hbm, cnt_hbm, z_hbm, out_hbm,
                 a0_v, a1_v, c0_v, c1_v, z_v, o_v, dsem):
    c = lax.axis_index("c")
    s = lax.axis_index("s")
    w = c * NS + s
    base = jnp.minimum(w * RPB, N - RPB)

    pltpu.async_copy(agg_hbm.at[0].at[pl.ds(base, RPB)], a0_v, dsem)
    pltpu.async_copy(agg_hbm.at[1].at[pl.ds(base, RPB)], a1_v, dsem)
    pltpu.async_copy(cnt_hbm.at[0].at[pl.ds(base, RPB)], c0_v, dsem)
    pltpu.async_copy(cnt_hbm.at[1].at[pl.ds(base, RPB)], c1_v, dsem)
    pltpu.async_copy(z_hbm.at[pl.ds(base, RPB)], z_v, dsem)
    pltpu.make_async_copy(agg_hbm.at[0].at[pl.ds(base, RPB)], a0_v, dsem).wait()
    pltpu.make_async_copy(agg_hbm.at[1].at[pl.ds(base, RPB)], a1_v, dsem).wait()
    pltpu.make_async_copy(cnt_hbm.at[0].at[pl.ds(base, RPB)], c0_v, dsem).wait()
    pltpu.make_async_copy(cnt_hbm.at[1].at[pl.ds(base, RPB)], c1_v, dsem).wait()
    pltpu.make_async_copy(z_hbm.at[pl.ds(base, RPB)], z_v, dsem).wait()

    def row_step(r, carry):
        inv = 1.0 / jnp.maximum(c0_v[r] + c1_v[r], 1.0)
        for k in range(H // 16):
            sl = pl.ds(k * 16, 16)
            o_v[r, sl] = (a0_v[r, sl] + a1_v[r, sl]) * inv + z_v[r, sl]
        return carry

    lax.fori_loop(0, RPB, row_step, 0)

    pltpu.sync_copy(o_v, out_hbm.at[pl.ds(base, RPB)])


_sc_finish = pl.kernel(
    _fin_sc_body,
    out_type=jax.ShapeDtypeStruct((N, H), jnp.float32),
    mesh=plsc.VectorSubcoreMesh(core_axis_name="c", subcore_axis_name="s"),
    compiler_params=pltpu.CompilerParams(use_tc_tiling_on_sc=False),
    scratch_types=[
        pltpu.VMEM((RPB, H), jnp.float32),
        pltpu.VMEM((RPB, H), jnp.float32),
        pltpu.VMEM((RPB, CW), jnp.float32),
        pltpu.VMEM((RPB, CW), jnp.float32),
        pltpu.VMEM((RPB, H), jnp.float32),
        pltpu.VMEM((RPB, H), jnp.float32),
        pltpu.SemaphoreType.DMA,
    ],
)


def kernel(x, edge_index, W_l, W_r, b_l):
    y, z = _dual_matmul(x, W_l, W_r, b_l.reshape(1, H))

    agg_p, cnt_p = _sc_aggregate(y, edge_index.astype(jnp.int32))

    return _sc_finish(agg_p, cnt_p, z)

# --- scband reference (transcript-rebuilt; emitter-appended) ---
"""Pipeline reference for scband-sageconv-net-5566277616451 (READ-ONLY COPY).

The authoritative reference and input builder live on the scoring server;
editing this copy changes nothing except your own understanding.
"""

import jax, jax.numpy as jnp
import numpy as np

N = 10000
E = 320000
F_IN = 128
H = 64


def setup_inputs(seed: int = 0) -> dict:
    key = jax.random.key(seed)
    k1, k2, k3, k4 = jax.random.split(key, 4)
    x = jax.random.normal(k1, (N, F_IN), dtype=jnp.float32)
    edge_index = jax.random.randint(k2, (2, E), 0, N)
    # SAGEConv parameters: lin_l (applied to aggregated neighbors, has bias), lin_r (root/self)
    W_l = jax.random.normal(k3, (H, F_IN), dtype=jnp.float32) / np.sqrt(F_IN)
    W_r = jax.random.normal(k4, (H, F_IN), dtype=jnp.float32) / np.sqrt(F_IN)
    b_l = jnp.zeros((H,), dtype=jnp.float32)
    return {"x": x, "edge_index": edge_index, "W_l": W_l, "W_r": W_r, "b_l": b_l}


def reference(x, edge_index, W_l, W_r, b_l):
    # SAGEConv with mean aggregation (PyG default):
    # out = lin_l(mean_{j in N(i)} x_j) + lin_r(x_i)
    src = edge_index[0]
    dst = edge_index[1]
    msg = jnp.take(x, src, axis=0)                                  # gather: [E, F_IN]
    agg_sum = jax.ops.segment_sum(msg, dst, num_segments=N)         # scatter-add: [N, F_IN]
    cnt = jax.ops.segment_sum(jnp.ones((E,), dtype=x.dtype), dst, num_segments=N)
    agg_mean = agg_sum / jnp.clip(cnt, 1.0, None)[:, None]
    out = agg_mean @ W_l.T + b_l + x @ W_r.T                        # num_layers=1: only conv1, no ELU
    return out

if __name__ == "__main__":
    import jax
    _d = setup_inputs()
    print(jax.jit(kernel)(*tuple(_d.values())))

</pallas_src>

<mosaic_0001>
#map = affine_map<(d0, d1) -> (0, 0)>
#map1 = affine_map<(d0, d1) -> (0, 0, 0)>
module attributes {stable_mosaic.version = 14 : i64} {
  func.func @_sc_body(%arg0: i32, %arg1: i32, %arg2: memref<10112x64xf32, #tpu.memory_space<hbm>>, %arg3: memref<2x320000xi32, #tpu.memory_space<hbm>>, %arg4: memref<2x10112x64xf32, #tpu.memory_space<hbm>>, %arg5: memref<2x10112x16xf32, #tpu.memory_space<hbm>>, %arg6: memref<10112x64xf32, #tpu.memory_space<vmem_shared>>, %arg7: memref<10112x16xf32, #tpu.memory_space<vmem_shared>>, %arg8: memref<10000xi32, #tpu.memory_space<vmem>>, %arg9: memref<10000xi32, #tpu.memory_space<vmem>>, %arg10: memref<6x128x64xf32, #tpu.memory_space<vmem>>, %arg11: memref<128x16xf32, #tpu.memory_space<vmem>>, %arg12: memref<16x64xf32, #tpu.memory_space<vmem>>, %arg13: memref<!tpu.dma_semaphore, #tpu.memory_space<semaphore_mem>>, %arg14: memref<!tpu.dma_semaphore, #tpu.memory_space<semaphore_mem>>, %arg15: memref<!tpu.dma_semaphore, #tpu.memory_space<semaphore_mem>>) attributes {dimension_semantics = [#tpu.dimension_semantics<core_parallel>, #tpu.dimension_semantics<subcore_parallel>], iteration_bounds = array<i64: 2, 16>, scalar_prefetch = 0 : i64, scratch_operands = 10 : i64, tpu.core_type = #tpu.core_type<sc_vector_subcore>, window_params = [{transform_indices = #map}, {transform_indices = #map}, {transform_indices = #map1}, {transform_indices = #map1}]} {
    %mul3A = arith.constant 16 : i32
    %mul3A_0 = arith.muli %arg0, %mul3A : i32
    %add3A = arith.addi %mul3A_0, %arg1 : i32
    %mul3A_1 = arith.constant 10000 : i32
    %mul3A_2 = arith.muli %add3A, %mul3A_1 : i32
    %dma_start3A = arith.constant 0 : i32
    %dma_start3A_3 = arith.constant 0 : i32
    %dma_start3A_4 = tpu.memref_slice %arg3[%dma_start3A, %dma_start3A_3] : memref<2x320000xi32, #tpu.memory_space<hbm>> -> memref<1x320000xi32, #tpu.memory_space<hbm>>
    %dma_start3A_5 = tpu.memref_squeeze %dma_start3A_4 : memref<1x320000xi32, #tpu.memory_space<hbm>> -> memref<320000xi32, #tpu.memory_space<hbm>>
    %dma_start3A_6 = tpu.memref_slice %dma_start3A_5[%mul3A_2] : memref<320000xi32, #tpu.memory_space<hbm>> -> memref<10000xi32, #tpu.memory_space<hbm>>
    %dma_start3A_7 = arith.constant 0 : i32
    %dma_start3A_8 = tpu.memref_slice %arg3[%dma_start3A, %dma_start3A_7] : memref<2x320000xi32, #tpu.memory_space<hbm>> -> memref<1x320000xi32, #tpu.memory_space<hbm>>
    %dma_start3A_9 = tpu.memref_squeeze %dma_start3A_8 : memref<1x320000xi32, #tpu.memory_space<hbm>> -> memref<320000xi32, #tpu.memory_space<hbm>>
    %dma_start3A_10 = tpu.memref_slice %dma_start3A_9[%mul3A_2] : memref<320000xi32, #tpu.memory_space<hbm>> -> memref<10000xi32, #tpu.memory_space<hbm>>
    tpu.enqueue_dma source(%dma_start3A_10 : memref<10000xi32, #tpu.memory_space<hbm>>) target(%arg8 : memref<10000xi32, #tpu.memory_space<vmem>>) target_semaphore(%arg13 : memref<!tpu.dma_semaphore, #tpu.memory_space<semaphore_mem>>)
    %mul3A_11 = arith.constant 10000 : i32
    %mul3A_12 = arith.muli %add3A, %mul3A_11 : i32
    %dma_start3A_13 = arith.constant 1 : i32
    %dma_start3A_14 = arith.constant 0 : i32
    %dma_start3A_15 = tpu.memref_slice %arg3[%dma_start3A_13, %dma_start3A_14] : memref<2x320000xi32, #tpu.memory_space<hbm>> -> memref<1x320000xi32, #tpu.memory_space<hbm>>
    %dma_start3A_16 = tpu.memref_squeeze %dma_start3A_15 : memref<1x320000xi32, #tpu.memory_space<hbm>> -> memref<320000xi32, #tpu.memory_space<hbm>>
    %dma_start3A_17 = tpu.memref_slice %dma_start3A_16[%mul3A_12] : memref<320000xi32, #tpu.memory_space<hbm>> -> memref<10000xi32, #tpu.memory_space<hbm>>
    %dma_start3A_18 = arith.constant 0 : i32
    %dma_start3A_19 = tpu.memref_slice %arg3[%dma_start3A_13, %dma_start3A_18] : memref<2x320000xi32, #tpu.memory_space<hbm>> -> memref<1x320000xi32, #tpu.memory_space<hbm>>
    %dma_start3A_20 = tpu.memref_squeeze %dma_start3A_19 : memref<1x320000xi32, #tpu.memory_space<hbm>> -> memref<320000xi32, #tpu.memory_space<hbm>>
    %dma_start3A_21 = tpu.memref_slice %dma_start3A_20[%mul3A_12] : memref<320000xi32, #tpu.memory_space<hbm>> -> memref<10000xi32, #tpu.memory_space<hbm>>
    tpu.enqueue_dma source(%dma_start3A_21 : memref<10000xi32, #tpu.memory_space<hbm>>) target(%arg9 : memref<10000xi32, #tpu.memory_space<vmem>>) target_semaphore(%arg13 : memref<!tpu.dma_semaphore, #tpu.memory_space<semaphore_mem>>)
    %scan3A = arith.constant 0 : i32
    %scan3A_22 = arith.constant 0 : i32
    %scan3A_23 = arith.constant 128 : i32
    %scan3A_24 = arith.addi %scan3A_22, %scan3A_23 : i32
    %scan3A_25 = arith.constant 1 : i32
    scf.for %scan3A_186 = %scan3A_22 to %scan3A_24 step %scan3A_25  : i32 {
      %broadcast_in_dim3A = arith.constant 0.000000e+00 : f32
      %broadcast_in_dim3A_187 = vector.broadcast %broadcast_in_dim3A : f32 to vector<16xf32>
      %swap3A = arith.constant 0 : i32
      %swap3A_188 = arith.index_cast %swap3A : i32 to index
      %swap3A_189 = arith.index_cast %scan3A_186 : i32 to index
      %swap3A_190 = arith.constant 0 : index
      %swap3A_191 = tpu.vector_load %arg10[%swap3A_188, %swap3A_189, %swap3A_190] {strides = array<i32>} : memref<6x128x64xf32, #tpu.memory_space<vmem>>, vector<1x1x16xf32>,
      %swap3A_192 = vector.shape_cast %swap3A_191 : vector<1x1x16xf32> to vector<16xf32>
      %swap3A_193 = vector.shape_cast %broadcast_in_dim3A_187 : vector<16xf32> to vector<1x1x16xf32>
      tpu.vector_store %arg10[%swap3A_188, %swap3A_189, %swap3A_190], %swap3A_193 {strides = array<i32>} : memref<6x128x64xf32, #tpu.memory_space<vmem>>, vector<1x1x16xf32>,
      %broadcast_in_dim3A_194 = arith.constant 0.000000e+00 : f32
      %broadcast_in_dim3A_195 = vector.broadcast %broadcast_in_dim3A_194 : f32 to vector<16xf32>
      %swap3A_196 = arith.constant 0 : i32
      %swap3A_197 = arith.index_cast %swap3A_196 : i32 to index
      %swap3A_198 = arith.index_cast %scan3A_186 : i32 to index
      %swap3A_199 = arith.constant 16 : index
      %swap3A_200 = tpu.vector_load %arg10[%swap3A_197, %swap3A_198, %swap3A_199] {strides = array<i32>} : memref<6x128x64xf32, #tpu.memory_space<vmem>>, vector<1x1x16xf32>,
      %swap3A_201 = vector.shape_cast %swap3A_200 : vector<1x1x16xf32> to vector<16xf32>
      %swap3A_202 = vector.shape_cast %broadcast_in_dim3A_195 : vector<16xf32> to vector<1x1x16xf32>
      tpu.vector_store %arg10[%swap3A_197, %swap3A_198, %swap3A_199], %swap3A_202 {strides = array<i32>} : memref<6x128x64xf32, #tpu.memory_space<vmem>>, vector<1x1x16xf32>,
      %broadcast_in_dim3A_203 = arith.constant 0.000000e+00 : f32
      %broadcast_in_dim3A_204 = vector.broadcast %broadcast_in_dim3A_203 : f32 to vector<16xf32>
      %swap3A_205 = arith.constant 0 : i32
      %swap3A_206 = arith.index_cast %swap3A_205 : i32 to index
      %swap3A_207 = arith.index_cast %scan3A_186 : i32 to index
      %swap3A_208 = arith.constant 32 : index
      %swap3A_209 = tpu.vector_load %arg10[%swap3A_206, %swap3A_207, %swap3A_208] {strides = array<i32>} : memref<6x128x64xf32, #tpu.memory_space<vmem>>, vector<1x1x16xf32>,
      %swap3A_210 = vector.shape_cast %swap3A_209 : vector<1x1x16xf32> to vector<16xf32>
      %swap3A_211 = vector.shape_cast %broadcast_in_dim3A_204 : vector<16xf32> to vector<1x1x16xf32>
      tpu.vector_store %arg10[%swap3A_206, %swap3A_207, %swap3A_208], %swap3A_211 {strides = array<i32>} : memref<6x128x64xf32, #tpu.memory_space<vmem>>, vector<1x1x16xf32>,
      %broadcast_in_dim3A_212 = arith.constant 0.000000e+00 : f32
      %broadcast_in_dim3A_213 = vector.broadcast %broadcast_in_dim3A_212 : f32 to vector<16xf32>
      %swap3A_214 = arith.constant 0 : i32
      %swap3A_215 = arith.index_cast %swap3A_214 : i32 to index
      %swap3A_216 = arith.index_cast %scan3A_186 : i32 to index
      %swap3A_217 = arith.constant 48 : index
      %swap3A_218 = tpu.vector_load %arg10[%swap3A_215, %swap3A_216, %swap3A_217] {strides = array<i32>} : memref<6x128x64xf32, #tpu.memory_space<vmem>>, vector<1x1x16xf32>,
      %swap3A_219 = vector.shape_cast %swap3A_218 : vector<1x1x16xf32> to vector<16xf32>
      %swap3A_220 = vector.shape_cast %broadcast_in_dim3A_213 : vector<16xf32> to vector<1x1x16xf32>
      tpu.vector_store %arg10[%swap3A_215, %swap3A_216, %swap3A_217], %swap3A_220 {strides = array<i32>} : memref<6x128x64xf32, #tpu.memory_space<vmem>>, vector<1x1x16xf32>,
      %broadcast_in_dim3A_221 = arith.constant 0.000000e+00 : f32
      %broadcast_in_dim3A_222 = vector.broadcast %broadcast_in_dim3A_221 : f32 to vector<16xf32>
      %swap3A_223 = arith.index_cast %scan3A_186 : i32 to index
      %swap3A_224 = arith.constant 0 : index
      %swap3A_225 = tpu.vector_load %arg11[%swap3A_223, %swap3A_224] {strides = array<i32>} : memref<128x16xf32, #tpu.memory_space<vmem>>, vector<1x16xf32>,
      %swap3A_226 = vector.shape_cast %swap3A_225 : vector<1x16xf32> to vector<16xf32>
      %swap3A_227 = vector.shape_cast %broadcast_in_dim3A_222 : vector<16xf32> to vector<1x16xf32>
      tpu.vector_store %arg11[%swap3A_223, %swap3A_224], %swap3A_227 {strides = array<i32>} : memref<128x16xf32, #tpu.memory_space<vmem>>, vector<1x16xf32>,
    }
    %scan3A_26 = arith.constant 128 : i32
    %mul3A_27 = arith.constant 632 : i32
    %mul3A_28 = arith.muli %arg1, %mul3A_27 : i32
    %add3A_29 = arith.constant 0 : i32
    %add3A_30 = arith.addi %mul3A_28, %add3A_29 : i32
    %run_scoped3A = arith.constant 0 : i32
    "tpu.region"() ({
      %run_scoped3A_186 = tpu.sem_alloc : memref<!tpu.dma_semaphore, #tpu.memory_space<semaphore_mem>>
      %dma_start3A_187 = arith.constant 0 : i32
      %dma_start3A_188 = arith.constant 0 : i32
      %dma_start3A_189 = tpu.memref_slice %arg10[%run_scoped3A, %dma_start3A_187, %dma_start3A_188] : memref<6x128x64xf32, #tpu.memory_space<vmem>> -> memref<1x128x64xf32, #tpu.memory_space<vmem>>
      %dma_start3A_190 = tpu.memref_squeeze %dma_start3A_189 : memref<1x128x64xf32, #tpu.memory_space<vmem>> -> memref<128x64xf32, #tpu.memory_space<vmem>>
      %dma_start3A_191 = arith.constant 0 : i32
      %dma_start3A_192 = arith.constant 0 : i32
      %dma_start3A_193 = tpu.memref_slice %dma_start3A_190[%dma_start3A_191, %dma_start3A_192] : memref<128x64xf32, #tpu.memory_space<vmem>> -> memref<128x64xf32, #tpu.memory_space<vmem>>
      %dma_start3A_194 = arith.constant 0 : i32
      %dma_start3A_195 = tpu.memref_slice %arg6[%add3A_30, %dma_start3A_194] : memref<10112x64xf32, #tpu.memory_space<vmem_shared>> -> memref<128x64xf32, #tpu.memory_space<vmem_shared>>
      %dma_start3A_196 = arith.constant 0 : i32
      %dma_start3A_197 = tpu.memref_slice %arg6[%add3A_30, %dma_start3A_196] : memref<10112x64xf32, #tpu.memory_space<vmem_shared>> -> memref<128x64xf32, #tpu.memory_space<vmem_shared>>
      %dma_start3A_198 = arith.constant 0 : i32
      %dma_start3A_199 = arith.constant 0 : i32
      %dma_start3A_200 = tpu.memref_slice %arg10[%run_scoped3A, %dma_start3A_198, %dma_start3A_199] : memref<6x128x64xf32, #tpu.memory_space<vmem>> -> memref<1x128x64xf32, #tpu.memory_space<vmem>>
      %dma_start3A_201 = tpu.memref_squeeze %dma_start3A_200 : memref<1x128x64xf32, #tpu.memory_space<vmem>> -> memref<128x64xf32, #tpu.memory_space<vmem>>
      %dma_start3A_202 = arith.constant 0 : i32
      %dma_start3A_203 = arith.constant 0 : i32
      %dma_start3A_204 = tpu.memref_slice %dma_start3A_201[%dma_start3A_202, %dma_start3A_203] : memref<128x64xf32, #tpu.memory_space<vmem>> -> memref<128x64xf32, #tpu.memory_space<vmem>>
      tpu.enqueue_dma source(%dma_start3A_204 : memref<128x64xf32, #tpu.memory_space<vmem>>) target(%dma_start3A_197 : memref<128x64xf32, #tpu.memory_space<vmem_shared>>) target_semaphore(%run_scoped3A_186 : memref<!tpu.dma_semaphore, #tpu.memory_space<semaphore_mem>>)
      %dma_wait3A_205 = arith.constant 0 : i32
      %dma_wait3A_206 = arith.constant 0 : i32
      %dma_wait3A_207 = tpu.memref_slice %arg10[%run_scoped3A, %dma_wait3A_205, %dma_wait3A_206] : memref<6x128x64xf32, #tpu.memory_space<vmem>> -> memref<1x128x64xf32, #tpu.memory_space<vmem>>
      %dma_wait3A_208 = tpu.memref_squeeze %dma_wait3A_207 : memref<1x128x64xf32, #tpu.memory_space<vmem>> -> memref<128x64xf32, #tpu.memory_space<vmem>>
      %dma_wait3A_209 = arith.constant 0 : i32
      %dma_wait3A_210 = arith.constant 0 : i32
      %dma_wait3A_211 = tpu.memref_slice %dma_wait3A_208[%dma_wait3A_209, %dma_wait3A_210] : memref<128x64xf32, #tpu.memory_space<vmem>> -> memref<128x64xf32, #tpu.memory_space<vmem>>
      %dma_wait3A_212 = arith.constant 0 : i32
      %dma_wait3A_213 = tpu.memref_slice %arg6[%add3A_30, %dma_wait3A_212] : memref<10112x64xf32, #tpu.memory_space<vmem_shared>> -> memref<128x64xf32, #tpu.memory_space<vmem_shared>>
      %dma_wait3A_214 = arith.constant 0 : i32
      %dma_wait3A_215 = tpu.memref_slice %arg6[%add3A_30, %dma_wait3A_214] : memref<10112x64xf32, #tpu.memory_space<vmem_shared>> -> memref<128x64xf32, #tpu.memory_space<vmem_shared>>
      %dma_wait3A_216 = arith.constant 0 : i32
      %dma_wait3A_217 = arith.constant 0 : i32
      %dma_wait3A_218 = tpu.memref_slice %arg10[%run_scoped3A, %dma_wait3A_216, %dma_wait3A_217] : memref<6x128x64xf32, #tpu.memory_space<vmem>> -> memref<1x128x64xf32, #tpu.memory_space<vmem>>
      %dma_wait3A_219 = tpu.memref_squeeze %dma_wait3A_218 : memref<1x128x64xf32, #tpu.memory_space<vmem>> -> memref<128x64xf32, #tpu.memory_space<vmem>>
      %dma_wait3A_220 = arith.constant 0 : i32
      %dma_wait3A_221 = arith.constant 0 : i32
      %dma_wait3A_222 = tpu.memref_slice %dma_wait3A_219[%dma_wait3A_220, %dma_wait3A_221] : memref<128x64xf32, #tpu.memory_space<vmem>> -> memref<128x64xf32, #tpu.memory_space<vmem>>
      tpu.wait_dma2 semaphore(%run_scoped3A_186 : memref<!tpu.dma_semaphore, #tpu.memory_space<semaphore_mem>>) src(%dma_wait3A_222 : memref<128x64xf32, #tpu.memory_space<vmem>>) dst(%dma_wait3A_215 : memref<128x64xf32, #tpu.memory_space<vmem_shared>>)
      tpu.yield
    }) : () -> ()
    %mul3A_31 = arith.constant 632 : i32
    %mul3A_32 = arith.muli %arg1, %mul3A_31 : i32
    %add3A_33 = arith.constant 0 : i32
    %add3A_34 = arith.addi %mul3A_32, %add3A_33 : i32
    "tpu.region"() ({
      %run_scoped3A_186 = tpu.sem_alloc : memref<!tpu.dma_semaphore, #tpu.memory_space<semaphore_mem>>
      %dma_start3A_187 = arith.constant 0 : i32
      %dma_start3A_188 = arith.constant 0 : i32
      %dma_start3A_189 = tpu.memref_slice %arg11[%dma_start3A_187, %dma_start3A_188] : memref<128x16xf32, #tpu.memory_space<vmem>> -> memref<128x16xf32, #tpu.memory_space<vmem>>
      %dma_start3A_190 = arith.constant 0 : i32
      %dma_start3A_191 = tpu.memref_slice %arg7[%add3A_34, %dma_start3A_190] : memref<10112x16xf32, #tpu.memory_space<vmem_shared>> -> memref<128x16xf32, #tpu.memory_space<vmem_shared>>
      %dma_start3A_192 = arith.constant 0 : i32
      %dma_start3A_193 = tpu.memref_slice %arg7[%add3A_34, %dma_start3A_192] : memref<10112x16xf32, #tpu.memory_space<vmem_shared>> -> memref<128x16xf32, #tpu.memory_space<vmem_shared>>
      %dma_start3A_194 = arith.constant 0 : i32
      %dma_start3A_195 = arith.constant 0 : i32
      %dma_start3A_196 = tpu.memref_slice %arg11[%dma_start3A_194, %dma_start3A_195] : memref<128x16xf32, #tpu.memory_space<vmem>> -> memref<128x16xf32, #tpu.memory_space<vmem>>
      tpu.enqueue_dma source(%dma_start3A_196 : memref<128x16xf32, #tpu.memory_space<vmem>>) target(%dma_start3A_193 : memref<128x16xf32, #tpu.memory_space<vmem_shared>>) target_semaphore(%run_scoped3A_186 : memref<!tpu.dma_semaphore, #tpu.memory_space<semaphore_mem>>)
      %dma_wait3A_197 = arith.constant 0 : i32
      %dma_wait3A_198 = arith.constant 0 : i32
      %dma_wait3A_199 = tpu.memref_slice %arg11[%dma_wait3A_197, %dma_wait3A_198] : memref<128x16xf32, #tpu.memory_space<vmem>> -> memref<128x16xf32, #tpu.memory_space<vmem>>
      %dma_wait3A_200 = arith.constant 0 : i32
      %dma_wait3A_201 = tpu.memref_slice %arg7[%add3A_34, %dma_wait3A_200] : memref<10112x16xf32, #tpu.memory_space<vmem_shared>> -> memref<128x16xf32, #tpu.memory_space<vmem_shared>>
      %dma_wait3A_202 = arith.constant 0 : i32
      %dma_wait3A_203 = tpu.memref_slice %arg7[%add3A_34, %dma_wait3A_202] : memref<10112x16xf32, #tpu.memory_space<vmem_shared>> -> memref<128x16xf32, #tpu.memory_space<vmem_shared>>
      %dma_wait3A_204 = arith.constant 0 : i32
      %dma_wait3A_205 = arith.constant 0 : i32
      %dma_wait3A_206 = tpu.memref_slice %arg11[%dma_wait3A_204, %dma_wait3A_205] : memref<128x16xf32, #tpu.memory_space<vmem>> -> memref<128x16xf32, #tpu.memory_space<vmem>>
      tpu.wait_dma2 semaphore(%run_scoped3A_186 : memref<!tpu.dma_semaphore, #tpu.memory_space<semaphore_mem>>) src(%dma_wait3A_206 : memref<128x16xf32, #tpu.memory_space<vmem>>) dst(%dma_wait3A_203 : memref<128x16xf32, #tpu.memory_space<vmem_shared>>)
      tpu.yield
    }) : () -> ()
    %mul3A_35 = arith.constant 632 : i32
    %mul3A_36 = arith.muli %arg1, %mul3A_35 : i32
    %add3A_37 = arith.constant 128 : i32
    %add3A_38 = arith.addi %mul3A_36, %add3A_37 : i32
    %run_scoped3A_39 = arith.constant 0 : i32
    "tpu.region"() ({
      %run_scoped3A_186 = tpu.sem_alloc : memref<!tpu.dma_semaphore, #tpu.memory_space<semaphore_mem>>
      %dma_start3A_187 = arith.constant 0 : i32
      %dma_start3A_188 = arith.constant 0 : i32
      %dma_start3A_189 = tpu.memref_slice %arg10[%run_scoped3A_39, %dma_start3A_187, %dma_start3A_188] : memref<6x128x64xf32, #tpu.memory_space<vmem>> -> memref<1x128x64xf32, #tpu.memory_space<vmem>>
      %dma_start3A_190 = tpu.memref_squeeze %dma_start3A_189 : memref<1x128x64xf32, #tpu.memory_space<vmem>> -> memref<128x64xf32, #tpu.memory_space<vmem>>
      %dma_start3A_191 = arith.constant 0 : i32
      %dma_start3A_192 = arith.constant 0 : i32
      %dma_start3A_193 = tpu.memref_slice %dma_start3A_190[%dma_start3A_191, %dma_start3A_192] : memref<128x64xf32, #tpu.memory_space<vmem>> -> memref<128x64xf32, #tpu.memory_space<vmem>>
      %dma_start3A_194 = arith.constant 0 : i32
      %dma_start3A_195 = tpu.memref_slice %arg6[%add3A_38, %dma_start3A_194] : memref<10112x64xf32, #tpu.memory_space<vmem_shared>> -> memref<128x64xf32, #tpu.memory_space<vmem_shared>>
      %dma_start3A_196 = arith.constant 0 : i32
      %dma_start3A_197 = tpu.memref_slice %arg6[%add3A_38, %dma_start3A_196] : memref<10112x64xf32, #tpu.memory_space<vmem_shared>> -> memref<128x64xf32, #tpu.memory_space<vmem_shared>>
      %dma_start3A_198 = arith.constant 0 : i32
      %dma_start3A_199 = arith.constant 0 : i32
      %dma_start3A_200 = tpu.memref_slice %arg10[%run_scoped3A_39, %dma_start3A_198, %dma_start3A_199] : memref<6x128x64xf32, #tpu.memory_space<vmem>> -> memref<1x128x64xf32, #tpu.memory_space<vmem>>
      %dma_start3A_201 = tpu.memref_squeeze %dma_start3A_200 : memref<1x128x64xf32, #tpu.memory_space<vmem>> -> memref<128x64xf32, #tpu.memory_space<vmem>>
      %dma_start3A_202 = arith.constant 0 : i32
      %dma_start3A_203 = arith.constant 0 : i32
      %dma_start3A_204 = tpu.memref_slice %dma_start3A_201[%dma_start3A_202, %dma_start3A_203] : memref<128x64xf32, #tpu.memory_space<vmem>> -> memref<128x64xf32, #tpu.memory_space<vmem>>
      tpu.enqueue_dma source(%dma_start3A_204 : memref<128x64xf32, #tpu.memory_space<vmem>>) target(%dma_start3A_197 : memref<128x64xf32, #tpu.memory_space<vmem_shared>>) target_semaphore(%run_scoped3A_186 : memref<!tpu.dma_semaphore, #tpu.memory_space<semaphore_mem>>)
      %dma_wait3A_205 = arith.constant 0 : i32
      %dma_wait3A_206 = arith.constant 0 : i32
      %dma_wait3A_207 = tpu.memref_slice %arg10[%run_scoped3A_39, %dma_wait3A_205, %dma_wait3A_206] : memref<6x128x64xf32, #tpu.memory_space<vmem>> -> memref<1x128x64xf32, #tpu.memory_space<vmem>>
      %dma_wait3A_208 = tpu.memref_squeeze %dma_wait3A_207 : memref<1x128x64xf32, #tpu.memory_space<vmem>> -> memref<128x64xf32, #tpu.memory_space<vmem>>
      %dma_wait3A_209 = arith.constant 0 : i32
      %dma_wait3A_210 = arith.constant 0 : i32
      %dma_wait3A_211 = tpu.memref_slice %dma_wait3A_208[%dma_wait3A_209, %dma_wait3A_210] : memref<128x64xf32, #tpu.memory_space<vmem>> -> memref<128x64xf32, #tpu.memory_space<vmem>>
      %dma_wait3A_212 = arith.constant 0 : i32
      %dma_wait3A_213 = tpu.memref_slice %arg6[%add3A_38, %dma_wait3A_212] : memref<10112x64xf32, #tpu.memory_space<vmem_shared>> -> memref<128x64xf32, #tpu.memory_space<vmem_shared>>
      %dma_wait3A_214 = arith.constant 0 : i32
      %dma_wait3A_215 = tpu.memref_slice %arg6[%add3A_38, %dma_wait3A_214] : memref<10112x64xf32, #tpu.memory_space<vmem_shared>> -> memref<128x64xf32, #tpu.memory_space<vmem_shared>>
      %dma_wait3A_216 = arith.constant 0 : i32
      %dma_wait3A_217 = arith.constant 0 : i32
      %dma_wait3A_218 = tpu.memref_slice %arg10[%run_scoped3A_39, %dma_wait3A_216, %dma_wait3A_217] : memref<6x128x64xf32, #tpu.memory_space<vmem>> -> memref<1x128x64xf32, #tpu.memory_space<vmem>>
      %dma_wait3A_219 = tpu.memref_squeeze %dma_wait3A_218 : memref<1x128x64xf32, #tpu.memory_space<vmem>> -> memref<128x64xf32, #tpu.memory_space<vmem>>
      %dma_wait3A_220 = arith.constant 0 : i32
      %dma_wait3A_221 = arith.constant 0 : i32
      %dma_wait3A_222 = tpu.memref_slice %dma_wait3A_219[%dma_wait3A_220, %dma_wait3A_221] : memref<128x64xf32, #tpu.memory_space<vmem>> -> memref<128x64xf32, #tpu.memory_space<vmem>>
      tpu.wait_dma2 semaphore(%run_scoped3A_186 : memref<!tpu.dma_semaphore, #tpu.memory_space<semaphore_mem>>) src(%dma_wait3A_222 : memref<128x64xf32, #tpu.memory_space<vmem>>) dst(%dma_wait3A_215 : memref<128x64xf32, #tpu.memory_space<vmem_shared>>)
      tpu.yield
    }) : () -> ()
    %mul3A_40 = arith.constant 632 : i32
    %mul3A_41 = arith.muli %arg1, %mul3A_40 : i32
    %add3A_42 = arith.constant 128 : i32
    %add3A_43 = arith.addi %mul3A_41, %add3A_42 : i32
    "tpu.region"() ({
      %run_scoped3A_186 = tpu.sem_alloc : memref<!tpu.dma_semaphore, #tpu.memory_space<semaphore_mem>>
      %dma_start3A_187 = arith.constant 0 : i32
      %dma_start3A_188 = arith.constant 0 : i32
      %dma_start3A_189 = tpu.memref_slice %arg11[%dma_start3A_187, %dma_start3A_188] : memref<128x16xf32, #tpu.memory_space<vmem>> -> memref<128x16xf32, #tpu.memory_space<vmem>>
      %dma_start3A_190 = arith.constant 0 : i32
      %dma_start3A_191 = tpu.memref_slice %arg7[%add3A_43, %dma_start3A_190] : memref<10112x16xf32, #tpu.memory_space<vmem_shared>> -> memref<128x16xf32, #tpu.memory_space<vmem_shared>>
      %dma_start3A_192 = arith.constant 0 : i32
      %dma_start3A_193 = tpu.memref_slice %arg7[%add3A_43, %dma_start3A_192] : memref<10112x16xf32, #tpu.memory_space<vmem_shared>> -> memref<128x16xf32, #tpu.memory_space<vmem_shared>>
      %dma_start3A_194 = arith.constant 0 : i32
      %dma_start3A_195 = arith.constant 0 : i32
      %dma_start3A_196 = tpu.memref_slice %arg11[%dma_start3A_194, %dma_start3A_195] : memref<128x16xf32, #tpu.memory_space<vmem>> -> memref<128x16xf32, #tpu.memory_space<vmem>>
      tpu.enqueue_dma source(%dma_start3A_196 : memref<128x16xf32, #tpu.memory_space<vmem>>) target(%dma_start3A_193 : memref<128x16xf32, #tpu.memory_space<vmem_shared>>) target_semaphore(%run_scoped3A_186 : memref<!tpu.dma_semaphore, #tpu.memory_space<semaphore_mem>>)
      %dma_wait3A_197 = arith.constant 0 : i32
      %dma_wait3A_198 = arith.constant 0 : i32
      %dma_wait3A_199 = tpu.memref_slice %arg11[%dma_wait3A_197, %dma_wait3A_198] : memref<128x16xf32, #tpu.memory_space<vmem>> -> memref<128x16xf32, #tpu.memory_space<vmem>>
      %dma_wait3A_200 = arith.constant 0 : i32
      %dma_wait3A_201 = tpu.memref_slice %arg7[%add3A_43, %dma_wait3A_200] : memref<10112x16xf32, #tpu.memory_space<vmem_shared>> -> memref<128x16xf32, #tpu.memory_space<vmem_shared>>
      %dma_wait3A_202 = arith.constant 0 : i32
      %dma_wait3A_203 = tpu.memref_slice %arg7[%add3A_43, %dma_wait3A_202] : memref<10112x16xf32, #tpu.memory_space<vmem_shared>> -> memref<128x16xf32, #tpu.memory_space<vmem_shared>>
      %dma_wait3A_204 = arith.constant 0 : i32
      %dma_wait3A_205 = arith.constant 0 : i32
      %dma_wait3A_206 = tpu.memref_slice %arg11[%dma_wait3A_204, %dma_wait3A_205] : memref<128x16xf32, #tpu.memory_space<vmem>> -> memref<128x16xf32, #tpu.memory_space<vmem>>
      tpu.wait_dma2 semaphore(%run_scoped3A_186 : memref<!tpu.dma_semaphore, #tpu.memory_space<semaphore_mem>>) src(%dma_wait3A_206 : memref<128x16xf32, #tpu.memory_space<vmem>>) dst(%dma_wait3A_203 : memref<128x16xf32, #tpu.memory_space<vmem_shared>>)
      tpu.yield
    }) : () -> ()
    %mul3A_44 = arith.constant 632 : i32
    %mul3A_45 = arith.muli %arg1, %mul3A_44 : i32
    %add3A_46 = arith.constant 256 : i32
    %add3A_47 = arith.addi %mul3A_45, %add3A_46 : i32
    %run_scoped3A_48 = arith.constant 0 : i32
    "tpu.region"() ({
      %run_scoped3A_186 = tpu.sem_alloc : memref<!tpu.dma_semaphore, #tpu.memory_space<semaphore_mem>>
      %dma_start3A_187 = arith.constant 0 : i32
      %dma_start3A_188 = arith.constant 0 : i32
      %dma_start3A_189 = tpu.memref_slice %arg10[%run_scoped3A_48, %dma_start3A_187, %dma_start3A_188] : memref<6x128x64xf32, #tpu.memory_space<vmem>> -> memref<1x128x64xf32, #tpu.memory_space<vmem>>
      %dma_start3A_190 = tpu.memref_squeeze %dma_start3A_189 : memref<1x128x64xf32, #tpu.memory_space<vmem>> -> memref<128x64xf32, #tpu.memory_space<vmem>>
      %dma_start3A_191 = arith.constant 0 : i32
      %dma_start3A_192 = arith.constant 0 : i32
      %dma_start3A_193 = tpu.memref_slice %dma_start3A_190[%dma_start3A_191, %dma_start3A_192] : memref<128x64xf32, #tpu.memory_space<vmem>> -> memref<128x64xf32, #tpu.memory_space<vmem>>
      %dma_start3A_194 = arith.constant 0 : i32
      %dma_start3A_195 = tpu.memref_slice %arg6[%add3A_47, %dma_start3A_194] : memref<10112x64xf32, #tpu.memory_space<vmem_shared>> -> memref<128x64xf32, #tpu.memory_space<vmem_shared>>
      %dma_start3A_196 = arith.constant 0 : i32
      %dma_start3A_197 = tpu.memref_slice %arg6[%add3A_47, %dma_start3A_196] : memref<10112x64xf32, #tpu.memory_space<vmem_shared>> -> memref<128x64xf32, #tpu.memory_space<vmem_shared>>
      %dma_start3A_198 = arith.constant 0 : i32
      %dma_start3A_199 = arith.constant 0 : i32
      %dma_start3A_200 = tpu.memref_slice %arg10[%run_scoped3A_48, %dma_start3A_198, %dma_start3A_199] : memref<6x128x64xf32, #tpu.memory_space<vmem>> -> memref<1x128x64xf32, #tpu.memory_space<vmem>>
      %dma_start3A_201 = tpu.memref_squeeze %dma_start3A_200 : memref<1x128x64xf32, #tpu.memory_space<vmem>> -> memref<128x64xf32, #tpu.memory_space<vmem>>
      %dma_start3A_202 = arith.constant 0 : i32
      %dma_start3A_203 = arith.constant 0 : i32
      %dma_start3A_204 = tpu.memref_slice %dma_start3A_201[%dma_start3A_202, %dma_start3A_203] : memref<128x64xf32, #tpu.memory_space<vmem>> -> memref<128x64xf32, #tpu.memory_space<vmem>>
      tpu.enqueue_dma source(%dma_start3A_204 : memref<128x64xf32, #tpu.memory_space<vmem>>) target(%dma_start3A_197 : memref<128x64xf32, #tpu.memory_space<vmem_shared>>) target_semaphore(%run_scoped3A_186 : memref<!tpu.dma_semaphore, #tpu.memory_space<semaphore_mem>>)
      %dma_wait3A_205 = arith.constant 0 : i32
      %dma_wait3A_206 = arith.constant 0 : i32
      %dma_wait3A_207 = tpu.memref_slice %arg10[%run_scoped3A_48, %dma_wait3A_205, %dma_wait3A_206] : memref<6x128x64xf32, #tpu.memory_space<vmem>> -> memref<1x128x64xf32, #tpu.memory_space<vmem>>
      %dma_wait3A_208 = tpu.memref_squeeze %dma_wait3A_207 : memref<1x128x64xf32, #tpu.memory_space<vmem>> -> memref<128x64xf32, #tpu.memory_space<vmem>>
      %dma_wait3A_209 = arith.constant 0 : i32
      %dma_wait3A_210 = arith.constant 0 : i32
      %dma_wait3A_211 = tpu.memref_slice %dma_wait3A_208[%dma_wait3A_209, %dma_wait3A_210] : memref<128x64xf32, #tpu.memory_space<vmem>> -> memref<128x64xf32, #tpu.memory_space<vmem>>
      %dma_wait3A_212 = arith.constant 0 : i32
      %dma_wait3A_213 = tpu.memref_slice %arg6[%add3A_47, %dma_wait3A_212] : memref<10112x64xf32, #tpu.memory_space<vmem_shared>> -> memref<128x64xf32, #tpu.memory_space<vmem_shared>>
      %dma_wait3A_214 = arith.constant 0 : i32
      %dma_wait3A_215 = tpu.memref_slice %arg6[%add3A_47, %dma_wait3A_214] : memref<10112x64xf32, #tpu.memory_space<vmem_shared>> -> memref<128x64xf32, #tpu.memory_space<vmem_shared>>
      %dma_wait3A_216 = arith.constant 0 : i32
      %dma_wait3A_217 = arith.constant 0 : i32
      %dma_wait3A_218 = tpu.memref_slice %arg10[%run_scoped3A_48, %dma_wait3A_216, %dma_wait3A_217] : memref<6x128x64xf32, #tpu.memory_space<vmem>> -> memref<1x128x64xf32, #tpu.memory_space<vmem>>
      %dma_wait3A_219 = tpu.memref_squeeze %dma_wait3A_218 : memref<1x128x64xf32, #tpu.memory_space<vmem>> -> memref<128x64xf32, #tpu.memory_space<vmem>>
      %dma_wait3A_220 = arith.constant 0 : i32
      %dma_wait3A_221 = arith.constant 0 : i32
      %dma_wait3A_222 = tpu.memref_slice %dma_wait3A_219[%dma_wait3A_220, %dma_wait3A_221] : memref<128x64xf32, #tpu.memory_space<vmem>> -> memref<128x64xf32, #tpu.memory_space<vmem>>
      tpu.wait_dma2 semaphore(%run_scoped3A_186 : memref<!tpu.dma_semaphore, #tpu.memory_space<semaphore_mem>>) src(%dma_wait3A_222 : memref<128x64xf32, #tpu.memory_space<vmem>>) dst(%dma_wait3A_215 : memref<128x64xf32, #tpu.memory_space<vmem_shared>>)
      tpu.yield
    }) : () -> ()
    %mul3A_49 = arith.constant 632 : i32
    %mul3A_50 = arith.muli %arg1, %mul3A_49 : i32
    %add3A_51 = arith.constant 256 : i32
    %add3A_52 = arith.addi %mul3A_50, %add3A_51 : i32
    "tpu.region"() ({
      %run_scoped3A_186 = tpu.sem_alloc : memref<!tpu.dma_semaphore, #tpu.memory_space<semaphore_mem>>
      %dma_start3A_187 = arith.constant 0 : i32
      %dma_start3A_188 = arith.constant 0 : i32
      %dma_start3A_189 = tpu.memref_slice %arg11[%dma_start3A_187, %dma_start3A_188] : memref<128x16xf32, #tpu.memory_space<vmem>> -> memref<128x16xf32, #tpu.memory_space<vmem>>
      %dma_start3A_190 = arith.constant 0 : i32
      %dma_start3A_191 = tpu.memref_slice %arg7[%add3A_52, %dma_start3A_190] : memref<10112x16xf32, #tpu.memory_space<vmem_shared>> -> memref<128x16xf32, #tpu.memory_space<vmem_shared>>
      %dma_start3A_192 = arith.constant 0 : i32
      %dma_start3A_193 = tpu.memref_slice %arg7[%add3A_52, %dma_start3A_192] : memref<10112x16xf32, #tpu.memory_space<vmem_shared>> -> memref<128x16xf32, #tpu.memory_space<vmem_shared>>
      %dma_start3A_194 = arith.constant 0 : i32
      %dma_start3A_195 = arith.constant 0 : i32
      %dma_start3A_196 = tpu.memref_slice %arg11[%dma_start3A_194, %dma_start3A_195] : memref<128x16xf32, #tpu.memory_space<vmem>> -> memref<128x16xf32, #tpu.memory_space<vmem>>
      tpu.enqueue_dma source(%dma_start3A_196 : memref<128x16xf32, #tpu.memory_space<vmem>>) target(%dma_start3A_193 : memref<128x16xf32, #tpu.memory_space<vmem_shared>>) target_semaphore(%run_scoped3A_186 : memref<!tpu.dma_semaphore, #tpu.memory_space<semaphore_mem>>)
      %dma_wait3A_197 = arith.constant 0 : i32
      %dma_wait3A_198 = arith.constant 0 : i32
      %dma_wait3A_199 = tpu.memref_slice %arg11[%dma_wait3A_197, %dma_wait3A_198] : memref<128x16xf32, #tpu.memory_space<vmem>> -> memref<128x16xf32, #tpu.memory_space<vmem>>
      %dma_wait3A_200 = arith.constant 0 : i32
      %dma_wait3A_201 = tpu.memref_slice %arg7[%add3A_52, %dma_wait3A_200] : memref<10112x16xf32, #tpu.memory_space<vmem_shared>> -> memref<128x16xf32, #tpu.memory_space<vmem_shared>>
      %dma_wait3A_202 = arith.constant 0 : i32
      %dma_wait3A_203 = tpu.memref_slice %arg7[%add3A_52, %dma_wait3A_202] : memref<10112x16xf32, #tpu.memory_space<vmem_shared>> -> memref<128x16xf32, #tpu.memory_space<vmem_shared>>
      %dma_wait3A_204 = arith.constant 0 : i32
      %dma_wait3A_205 = arith.constant 0 : i32
      %dma_wait3A_206 = tpu.memref_slice %arg11[%dma_wait3A_204, %dma_wait3A_205] : memref<128x16xf32, #tpu.memory_space<vmem>> -> memref<128x16xf32, #tpu.memory_space<vmem>>
      tpu.wait_dma2 semaphore(%run_scoped3A_186 : memref<!tpu.dma_semaphore, #tpu.memory_space<semaphore_mem>>) src(%dma_wait3A_206 : memref<128x16xf32, #tpu.memory_space<vmem>>) dst(%dma_wait3A_203 : memref<128x16xf32, #tpu.memory_space<vmem_shared>>)
      tpu.yield
    }) : () -> ()
    %mul3A_53 = arith.constant 632 : i32
    %mul3A_54 = arith.muli %arg1, %mul3A_53 : i32
    %add3A_55 = arith.constant 384 : i32
    %add3A_56 = arith.addi %mul3A_54, %add3A_55 : i32
    %run_scoped3A_57 = arith.constant 0 : i32
    "tpu.region"() ({
      %run_scoped3A_186 = tpu.sem_alloc : memref<!tpu.dma_semaphore, #tpu.memory_space<semaphore_mem>>
      %dma_start3A_187 = arith.constant 0 : i32
      %dma_start3A_188 = arith.constant 0 : i32
      %dma_start3A_189 = tpu.memref_slice %arg10[%run_scoped3A_57, %dma_start3A_187, %dma_start3A_188] : memref<6x128x64xf32, #tpu.memory_space<vmem>> -> memref<1x128x64xf32, #tpu.memory_space<vmem>>
      %dma_start3A_190 = tpu.memref_squeeze %dma_start3A_189 : memref<1x128x64xf32, #tpu.memory_space<vmem>> -> memref<128x64xf32, #tpu.memory_space<vmem>>
      %dma_start3A_191 = arith.constant 0 : i32
      %dma_start3A_192 = arith.constant 0 : i32
      %dma_start3A_193 = tpu.memref_slice %dma_start3A_190[%dma_start3A_191, %dma_start3A_192] : memref<128x64xf32, #tpu.memory_space<vmem>> -> memref<128x64xf32, #tpu.memory_space<vmem>>
      %dma_start3A_194 = arith.constant 0 : i32
      %dma_start3A_195 = tpu.memref_slice %arg6[%add3A_56, %dma_start3A_194] : memref<10112x64xf32, #tpu.memory_space<vmem_shared>> -> memref<128x64xf32, #tpu.memory_space<vmem_shared>>
      %dma_start3A_196 = arith.constant 0 : i32
      %dma_start3A_197 = tpu.memref_slice %arg6[%add3A_56, %dma_start3A_196] : memref<10112x64xf32, #tpu.memory_space<vmem_shared>> -> memref<128x64xf32, #tpu.memory_space<vmem_shared>>
      %dma_start3A_198 = arith.constant 0 : i32
      %dma_start3A_199 = arith.constant 0 : i32
      %dma_start3A_200 = tpu.memref_slice %arg10[%run_scoped3A_57, %dma_start3A_198, %dma_start3A_199] : memref<6x128x64xf32, #tpu.memory_space<vmem>> -> memref<1x128x64xf32, #tpu.memory_space<vmem>>
      %dma_start3A_201 = tpu.memref_squeeze %dma_start3A_200 : memref<1x128x64xf32, #tpu.memory_space<vmem>> -> memref<128x64xf32, #tpu.memory_space<vmem>>
      %dma_start3A_202 = arith.constant 0 : i32
      %dma_start3A_203 = arith.constant 0 : i32
      %dma_start3A_204 = tpu.memref_slice %dma_start3A_201[%dma_start3A_202, %dma_start3A_203] : memref<128x64xf32, #tpu.memory_space<vmem>> -> memref<128x64xf32, #tpu.memory_space<vmem>>
      tpu.enqueue_dma source(%dma_start3A_204 : memref<128x64xf32, #tpu.memory_space<vmem>>) target(%dma_start3A_197 : memref<128x64xf32, #tpu.memory_space<vmem_shared>>) target_semaphore(%run_scoped3A_186 : memref<!tpu.dma_semaphore, #tpu.memory_space<semaphore_mem>>)
      %dma_wait3A_205 = arith.constant 0 : i32
      %dma_wait3A_206 = arith.constant 0 : i32
      %dma_wait3A_207 = tpu.memref_slice %arg10[%run_scoped3A_57, %dma_wait3A_205, %dma_wait3A_206] : memref<6x128x64xf32, #tpu.memory_space<vmem>> -> memref<1x128x64xf32, #tpu.memory_space<vmem>>
      %dma_wait3A_208 = tpu.memref_squeeze %dma_wait3A_207 : memref<1x128x64xf32, #tpu.memory_space<vmem>> -> memref<128x64xf32, #tpu.memory_space<vmem>>
      %dma_wait3A_209 = arith.constant 0 : i32
      %dma_wait3A_210 = arith.constant 0 : i32
      %dma_wait3A_211 = tpu.memref_slice %dma_wait3A_208[%dma_wait3A_209, %dma_wait3A_210] : memref<128x64xf32, #tpu.memory_space<vmem>> -> memref<128x64xf32, #tpu.memory_space<vmem>>
      %dma_wait3A_212 = arith.constant 0 : i32
      %dma_wait3A_213 = tpu.memref_slice %arg6[%add3A_56, %dma_wait3A_212] : memref<10112x64xf32, #tpu.memory_space<vmem_shared>> -> memref<128x64xf32, #tpu.memory_space<vmem_shared>>
      %dma_wait3A_214 = arith.constant 0 : i32
      %dma_wait3A_215 = tpu.memref_slice %arg6[%add3A_56, %dma_wait3A_214] : memref<10112x64xf32, #tpu.memory_space<vmem_shared>> -> memref<128x64xf32, #tpu.memory_space<vmem_shared>>
      %dma_wait3A_216 = arith.constant 0 : i32
      %dma_wait3A_217 = arith.constant 0 : i32
      %dma_wait3A_218 = tpu.memref_slice %arg10[%run_scoped3A_57, %dma_wait3A_216, %dma_wait3A_217] : memref<6x128x64xf32, #tpu.memory_space<vmem>> -> memref<1x128x64xf32, #tpu.memory_space<vmem>>
      %dma_wait3A_219 = tpu.memref_squeeze %dma_wait3A_218 : memref<1x128x64xf32, #tpu.memory_space<vmem>> -> memref<128x64xf32, #tpu.memory_space<vmem>>
      %dma_wait3A_220 = arith.constant 0 : i32
      %dma_wait3A_221 = arith.constant 0 : i32
      %dma_wait3A_222 = tpu.memref_slice %dma_wait3A_219[%dma_wait3A_220, %dma_wait3A_221] : memref<128x64xf32, #tpu.memory_space<vmem>> -> memref<128x64xf32, #tpu.memory_space<vmem>>
      tpu.wait_dma2 semaphore(%run_scoped3A_186 : memref<!tpu.dma_semaphore, #tpu.memory_space<semaphore_mem>>) src(%dma_wait3A_222 : memref<128x64xf32, #tpu.memory_space<vmem>>) dst(%dma_wait3A_215 : memref<128x64xf32, #tpu.memory_space<vmem_shared>>)
      tpu.yield
    }) : () -> ()
    %mul3A_58 = arith.constant 632 : i32
    %mul3A_59 = arith.muli %arg1, %mul3A_58 : i32
    %add3A_60 = arith.constant 384 : i32
    %add3A_61 = arith.addi %mul3A_59, %add3A_60 : i32
    "tpu.region"() ({
      %run_scoped3A_186 = tpu.sem_alloc : memref<!tpu.dma_semaphore, #tpu.memory_space<semaphore_mem>>
      %dma_start3A_187 = arith.constant 0 : i32
      %dma_start3A_188 = arith.constant 0 : i32
      %dma_start3A_189 = tpu.memref_slice %arg11[%dma_start3A_187, %dma_start3A_188] : memref<128x16xf32, #tpu.memory_space<vmem>> -> memref<128x16xf32, #tpu.memory_space<vmem>>
      %dma_start3A_190 = arith.constant 0 : i32
      %dma_start3A_191 = tpu.memref_slice %arg7[%add3A_61, %dma_start3A_190] : memref<10112x16xf32, #tpu.memory_space<vmem_shared>> -> memref<128x16xf32, #tpu.memory_space<vmem_shared>>
      %dma_start3A_192 = arith.constant 0 : i32
      %dma_start3A_193 = tpu.memref_slice %arg7[%add3A_61, %dma_start3A_192] : memref<10112x16xf32, #tpu.memory_space<vmem_shared>> -> memref<128x16xf32, #tpu.memory_space<vmem_shared>>
      %dma_start3A_194 = arith.constant 0 : i32
      %dma_start3A_195 = arith.constant 0 : i32
      %dma_start3A_196 = tpu.memref_slice %arg11[%dma_start3A_194, %dma_start3A_195] : memref<128x16xf32, #tpu.memory_space<vmem>> -> memref<128x16xf32, #tpu.memory_space<vmem>>
      tpu.enqueue_dma source(%dma_start3A_196 : memref<128x16xf32, #tpu.memory_space<vmem>>) target(%dma_start3A_193 : memref<128x16xf32, #tpu.memory_space<vmem_shared>>) target_semaphore(%run_scoped3A_186 : memref<!tpu.dma_semaphore, #tpu.memory_space<semaphore_mem>>)
      %dma_wait3A_197 = arith.constant 0 : i32
      %dma_wait3A_198 = arith.constant 0 : i32
      %dma_wait3A_199 = tpu.memref_slice %arg11[%dma_wait3A_197, %dma_wait3A_198] : memref<128x16xf32, #tpu.memory_space<vmem>> -> memref<128x16xf32, #tpu.memory_space<vmem>>
      %dma_wait3A_200 = arith.constant 0 : i32
      %dma_wait3A_201 = tpu.memref_slice %arg7[%add3A_61, %dma_wait3A_200] : memref<10112x16xf32, #tpu.memory_space<vmem_shared>> -> memref<128x16xf32, #tpu.memory_space<vmem_shared>>
      %dma_wait3A_202 = arith.constant 0 : i32
      %dma_wait3A_203 = tpu.memref_slice %arg7[%add3A_61, %dma_wait3A_202] : memref<10112x16xf32, #tpu.memory_space<vmem_shared>> -> memref<128x16xf32, #tpu.memory_space<vmem_shared>>
      %dma_wait3A_204 = arith.constant 0 : i32
      %dma_wait3A_205 = arith.constant 0 : i32
      %dma_wait3A_206 = tpu.memref_slice %arg11[%dma_wait3A_204, %dma_wait3A_205] : memref<128x16xf32, #tpu.memory_space<vmem>> -> memref<128x16xf32, #tpu.memory_space<vmem>>
      tpu.wait_dma2 semaphore(%run_scoped3A_186 : memref<!tpu.dma_semaphore, #tpu.memory_space<semaphore_mem>>) src(%dma_wait3A_206 : memref<128x16xf32, #tpu.memory_space<vmem>>) dst(%dma_wait3A_203 : memref<128x16xf32, #tpu.memory_space<vmem_shared>>)
      tpu.yield
    }) : () -> ()
    %mul3A_62 = arith.constant 632 : i32
    %mul3A_63 = arith.muli %arg1, %mul3A_62 : i32
    %add3A_64 = arith.constant 512 : i32
    %add3A_65 = arith.addi %mul3A_63, %add3A_64 : i32
    %run_scoped3A_66 = arith.constant 0 : i32
    "tpu.region"() ({
      %run_scoped3A_186 = tpu.sem_alloc : memref<!tpu.dma_semaphore, #tpu.memory_space<semaphore_mem>>
      %dma_start3A_187 = arith.constant 0 : i32
      %dma_start3A_188 = arith.constant 0 : i32
      %dma_start3A_189 = tpu.memref_slice %arg10[%run_scoped3A_66, %dma_start3A_187, %dma_start3A_188] : memref<6x128x64xf32, #tpu.memory_space<vmem>> -> memref<1x128x64xf32, #tpu.memory_space<vmem>>
      %dma_start3A_190 = tpu.memref_squeeze %dma_start3A_189 : memref<1x128x64xf32, #tpu.memory_space<vmem>> -> memref<128x64xf32, #tpu.memory_space<vmem>>
      %dma_start3A_191 = arith.constant 0 : i32
      %dma_start3A_192 = arith.constant 0 : i32
      %dma_start3A_193 = tpu.memref_slice %dma_start3A_190[%dma_start3A_191, %dma_start3A_192] : memref<128x64xf32, #tpu.memory_space<vmem>> -> memref<120x64xf32, #tpu.memory_space<vmem>>
      %dma_start3A_194 = arith.constant 0 : i32
      %dma_start3A_195 = tpu.memref_slice %arg6[%add3A_65, %dma_start3A_194] : memref<10112x64xf32, #tpu.memory_space<vmem_shared>> -> memref<120x64xf32, #tpu.memory_space<vmem_shared>>
      %dma_start3A_196 = arith.constant 0 : i32
      %dma_start3A_197 = tpu.memref_slice %arg6[%add3A_65, %dma_start3A_196] : memref<10112x64xf32, #tpu.memory_space<vmem_shared>> -> memref<120x64xf32, #tpu.memory_space<vmem_shared>>
      %dma_start3A_198 = arith.constant 0 : i32
      %dma_start3A_199 = arith.constant 0 : i32
      %dma_start3A_200 = tpu.memref_slice %arg10[%run_scoped3A_66, %dma_start3A_198, %dma_start3A_199] : memref<6x128x64xf32, #tpu.memory_space<vmem>> -> memref<1x128x64xf32, #tpu.memory_space<vmem>>
      %dma_start3A_201 = tpu.memref_squeeze %dma_start3A_200 : memref<1x128x64xf32, #tpu.memory_space<vmem>> -> memref<128x64xf32, #tpu.memory_space<vmem>>
      %dma_start3A_202 = arith.constant 0 : i32
      %dma_start3A_203 = arith.constant 0 : i32
      %dma_start3A_204 = tpu.memref_slice %dma_start3A_201[%dma_start3A_202, %dma_start3A_203] : memref<128x64xf32, #tpu.memory_space<vmem>> -> memref<120x64xf32, #tpu.memory_space<vmem>>
      tpu.enqueue_dma source(%dma_start3A_204 : memref<120x64xf32, #tpu.memory_space<vmem>>) target(%dma_start3A_197 : memref<120x64xf32, #tpu.memory_space<vmem_shared>>) target_semaphore(%run_scoped3A_186 : memref<!tpu.dma_semaphore, #tpu.memory_space<semaphore_mem>>)
      %dma_wait3A_205 = arith.constant 0 : i32
      %dma_wait3A_206 = arith.constant 0 : i32
      %dma_wait3A_207 = tpu.memref_slice %arg10[%run_scoped3A_66, %dma_wait3A_205, %dma_wait3A_206] : memref<6x128x64xf32, #tpu.memory_space<vmem>> -> memref<1x128x64xf32, #tpu.memory_space<vmem>>
      %dma_wait3A_208 = tpu.memref_squeeze %dma_wait3A_207 : memref<1x128x64xf32, #tpu.memory_space<vmem>> -> memref<128x64xf32, #tpu.memory_space<vmem>>
      %dma_wait3A_209 = arith.constant 0 : i32
      %dma_wait3A_210 = arith.constant 0 : i32
      %dma_wait3A_211 = tpu.memref_slice %dma_wait3A_208[%dma_wait3A_209, %dma_wait3A_210] : memref<128x64xf32, #tpu.memory_space<vmem>> -> memref<120x64xf32, #tpu.memory_space<vmem>>
      %dma_wait3A_212 = arith.constant 0 : i32
      %dma_wait3A_213 = tpu.memref_slice %arg6[%add3A_65, %dma_wait3A_212] : memref<10112x64xf32, #tpu.memory_space<vmem_shared>> -> memref<120x64xf32, #tpu.memory_space<vmem_shared>>
      %dma_wait3A_214 = arith.constant 0 : i32
      %dma_wait3A_215 = tpu.memref_slice %arg6[%add3A_65, %dma_wait3A_214] : memref<10112x64xf32, #tpu.memory_space<vmem_shared>> -> memref<120x64xf32, #tpu.memory_space<vmem_shared>>
      %dma_wait3A_216 = arith.constant 0 : i32
      %dma_wait3A_217 = arith.constant 0 : i32
      %dma_wait3A_218 = tpu.memref_slice %arg10[%run_scoped3A_66, %dma_wait3A_216, %dma_wait3A_217] : memref<6x128x64xf32, #tpu.memory_space<vmem>> -> memref<1x128x64xf32, #tpu.memory_space<vmem>>
      %dma_wait3A_219 = tpu.memref_squeeze %dma_wait3A_218 : memref<1x128x64xf32, #tpu.memory_space<vmem>> -> memref<128x64xf32, #tpu.memory_space<vmem>>
      %dma_wait3A_220 = arith.constant 0 : i32
      %dma_wait3A_221 = arith.constant 0 : i32
      %dma_wait3A_222 = tpu.memref_slice %dma_wait3A_219[%dma_wait3A_220, %dma_wait3A_221] : memref<128x64xf32, #tpu.memory_space<vmem>> -> memref<120x64xf32, #tpu.memory_space<vmem>>
      tpu.wait_dma2 semaphore(%run_scoped3A_186 : memref<!tpu.dma_semaphore, #tpu.memory_space<semaphore_mem>>) src(%dma_wait3A_222 : memref<120x64xf32, #tpu.memory_space<vmem>>) dst(%dma_wait3A_215 : memref<120x64xf32, #tpu.memory_space<vmem_shared>>)
      tpu.yield
    }) : () -> ()
    %mul3A_67 = arith.constant 632 : i32
    %mul3A_68 = arith.muli %arg1, %mul3A_67 : i32
    %add3A_69 = arith.constant 512 : i32
    %add3A_70 = arith.addi %mul3A_68, %add3A_69 : i32
    "tpu.region"() ({
      %run_scoped3A_186 = tpu.sem_alloc : memref<!tpu.dma_semaphore, #tpu.memory_space<semaphore_mem>>
      %dma_start3A_187 = arith.constant 0 : i32
      %dma_start3A_188 = arith.constant 0 : i32
      %dma_start3A_189 = tpu.memref_slice %arg11[%dma_start3A_187, %dma_start3A_188] : memref<128x16xf32, #tpu.memory_space<vmem>> -> memref<120x16xf32, #tpu.memory_space<vmem>>
      %dma_start3A_190 = arith.constant 0 : i32
      %dma_start3A_191 = tpu.memref_slice %arg7[%add3A_70, %dma_start3A_190] : memref<10112x16xf32, #tpu.memory_space<vmem_shared>> -> memref<120x16xf32, #tpu.memory_space<vmem_shared>>
      %dma_start3A_192 = arith.constant 0 : i32
      %dma_start3A_193 = tpu.memref_slice %arg7[%add3A_70, %dma_start3A_192] : memref<10112x16xf32, #tpu.memory_space<vmem_shared>> -> memref<120x16xf32, #tpu.memory_space<vmem_shared>>
      %dma_start3A_194 = arith.constant 0 : i32
      %dma_start3A_195 = arith.constant 0 : i32
      %dma_start3A_196 = tpu.memref_slice %arg11[%dma_start3A_194, %dma_start3A_195] : memref<128x16xf32, #tpu.memory_space<vmem>> -> memref<120x16xf32, #tpu.memory_space<vmem>>
      tpu.enqueue_dma source(%dma_start3A_196 : memref<120x16xf32, #tpu.memory_space<vmem>>) target(%dma_start3A_193 : memref<120x16xf32, #tpu.memory_space<vmem_shared>>) target_semaphore(%run_scoped3A_186 : memref<!tpu.dma_semaphore, #tpu.memory_space<semaphore_mem>>)
      %dma_wait3A_197 = arith.constant 0 : i32
      %dma_wait3A_198 = arith.constant 0 : i32
      %dma_wait3A_199 = tpu.memref_slice %arg11[%dma_wait3A_197, %dma_wait3A_198] : memref<128x16xf32, #tpu.memory_space<vmem>> -> memref<120x16xf32, #tpu.memory_space<vmem>>
      %dma_wait3A_200 = arith.constant 0 : i32
      %dma_wait3A_201 = tpu.memref_slice %arg7[%add3A_70, %dma_wait3A_200] : memref<10112x16xf32, #tpu.memory_space<vmem_shared>> -> memref<120x16xf32, #tpu.memory_space<vmem_shared>>
      %dma_wait3A_202 = arith.constant 0 : i32
      %dma_wait3A_203 = tpu.memref_slice %arg7[%add3A_70, %dma_wait3A_202] : memref<10112x16xf32, #tpu.memory_space<vmem_shared>> -> memref<120x16xf32, #tpu.memory_space<vmem_shared>>
      %dma_wait3A_204 = arith.constant 0 : i32
      %dma_wait3A_205 = arith.constant 0 : i32
      %dma_wait3A_206 = tpu.memref_slice %arg11[%dma_wait3A_204, %dma_wait3A_205] : memref<128x16xf32, #tpu.memory_space<vmem>> -> memref<120x16xf32, #tpu.memory_space<vmem>>
      tpu.wait_dma2 semaphore(%run_scoped3A_186 : memref<!tpu.dma_semaphore, #tpu.memory_space<semaphore_mem>>) src(%dma_wait3A_206 : memref<120x16xf32, #tpu.memory_space<vmem>>) dst(%dma_wait3A_203 : memref<120x16xf32, #tpu.memory_space<vmem_shared>>)
      tpu.yield
    }) : () -> ()
    %scan3A_71 = arith.constant 0 : i32
    %scan3A_72 = arith.constant 0 : i32
    %scan3A_73 = arith.constant 128 : i32
    %scan3A_74 = arith.addi %scan3A_72, %scan3A_73 : i32
    %scan3A_75 = arith.constant 1 : i32
    scf.for %scan3A_186 = %scan3A_72 to %scan3A_74 step %scan3A_75  : i32 {
      %broadcast_in_dim3A = arith.constant 1.000000e+00 : f32
      %broadcast_in_dim3A_187 = vector.broadcast %broadcast_in_dim3A : f32 to vector<16xf32>
      %swap3A = arith.index_cast %scan3A_186 : i32 to index
      %swap3A_188 = arith.constant 0 : index
      %swap3A_189 = tpu.vector_load %arg11[%swap3A, %swap3A_188] {strides = array<i32>} : memref<128x16xf32, #tpu.memory_space<vmem>>, vector<1x16xf32>,
      %swap3A_190 = vector.shape_cast %swap3A_189 : vector<1x16xf32> to vector<16xf32>
      %swap3A_191 = vector.shape_cast %broadcast_in_dim3A_187 : vector<16xf32> to vector<1x16xf32>
      tpu.vector_store %arg11[%swap3A, %swap3A_188], %swap3A_191 {strides = array<i32>} : memref<128x16xf32, #tpu.memory_space<vmem>>, vector<1x16xf32>,
    }
    %scan3A_76 = arith.constant 128 : i32
    %mul3A_77 = arith.constant 10000 : i32
    %mul3A_78 = arith.muli %add3A, %mul3A_77 : i32
    %dma_wait3A = arith.constant 0 : i32
    %dma_wait3A_79 = arith.constant 0 : i32
    %dma_wait3A_80 = tpu.memref_slice %arg3[%dma_wait3A, %dma_wait3A_79] : memref<2x320000xi32, #tpu.memory_space<hbm>> -> memref<1x320000xi32, #tpu.memory_space<hbm>>
    %dma_wait3A_81 = tpu.memref_squeeze %dma_wait3A_80 : memref<1x320000xi32, #tpu.memory_space<hbm>> -> memref<320000xi32, #tpu.memory_space<hbm>>
    %dma_wait3A_82 = tpu.memref_slice %dma_wait3A_81[%mul3A_78] : memref<320000xi32, #tpu.memory_space<hbm>> -> memref<10000xi32, #tpu.memory_space<hbm>>
    %dma_wait3A_83 = arith.constant 0 : i32
    %dma_wait3A_84 = tpu.memref_slice %arg3[%dma_wait3A, %dma_wait3A_83] : memref<2x320000xi32, #tpu.memory_space<hbm>> -> memref<1x320000xi32, #tpu.memory_space<hbm>>
    %dma_wait3A_85 = tpu.memref_squeeze %dma_wait3A_84 : memref<1x320000xi32, #tpu.memory_space<hbm>> -> memref<320000xi32, #tpu.memory_space<hbm>>
    %dma_wait3A_86 = tpu.memref_slice %dma_wait3A_85[%mul3A_78] : memref<320000xi32, #tpu.memory_space<hbm>> -> memref<10000xi32, #tpu.memory_space<hbm>>
    tpu.wait_dma2 semaphore(%arg13 : memref<!tpu.dma_semaphore, #tpu.memory_space<semaphore_mem>>) src(%dma_wait3A_86 : memref<10000xi32, #tpu.memory_space<hbm>>) dst(%arg8 : memref<10000xi32, #tpu.memory_space<vmem>>)
    %mul3A_87 = arith.constant 10000 : i32
    %mul3A_88 = arith.muli %add3A, %mul3A_87 : i32
    %dma_wait3A_89 = arith.constant 1 : i32
    %dma_wait3A_90 = arith.constant 0 : i32
    %dma_wait3A_91 = tpu.memref_slice %arg3[%dma_wait3A_89, %dma_wait3A_90] : memref<2x320000xi32, #tpu.memory_space<hbm>> -> memref<1x320000xi32, #tpu.memory_space<hbm>>
    %dma_wait3A_92 = tpu.memref_squeeze %dma_wait3A_91 : memref<1x320000xi32, #tpu.memory_space<hbm>> -> memref<320000xi32, #tpu.memory_space<hbm>>
    %dma_wait3A_93 = tpu.memref_slice %dma_wait3A_92[%mul3A_88] : memref<320000xi32, #tpu.memory_space<hbm>> -> memref<10000xi32, #tpu.memory_space<hbm>>
    %dma_wait3A_94 = arith.constant 0 : i32
    %dma_wait3A_95 = tpu.memref_slice %arg3[%dma_wait3A_89, %dma_wait3A_94] : memref<2x320000xi32, #tpu.memory_space<hbm>> -> memref<1x320000xi32, #tpu.memory_space<hbm>>
    %dma_wait3A_96 = tpu.memref_squeeze %dma_wait3A_95 : memref<1x320000xi32, #tpu.memory_space<hbm>> -> memref<320000xi32, #tpu.memory_space<hbm>>
    %dma_wait3A_97 = tpu.memref_slice %dma_wait3A_96[%mul3A_88] : memref<320000xi32, #tpu.memory_space<hbm>> -> memref<10000xi32, #tpu.memory_space<hbm>>
    tpu.wait_dma2 semaphore(%arg13 : memref<!tpu.dma_semaphore, #tpu.memory_space<semaphore_mem>>) src(%dma_wait3A_97 : memref<10000xi32, #tpu.memory_space<hbm>>) dst(%arg9 : memref<10000xi32, #tpu.memory_space<vmem>>)
    %barrier3A = arith.constant 0 : index
    tpu.barrier barrier_id(%barrier3A)
    %dma_start3A_98 = arith.constant 0 : i32
    %dma_start3A_99 = arith.constant 0 : i32
    %dma_start3A_100 = arith.constant 0 : i32
    %dma_start3A_101 = tpu.memref_slice %arg10[%dma_start3A_98, %dma_start3A_99, %dma_start3A_100] : memref<6x128x64xf32, #tpu.memory_space<vmem>> -> memref<1x128x64xf32, #tpu.memory_space<vmem>>
    %dma_start3A_102 = tpu.memref_squeeze %dma_start3A_101 : memref<1x128x64xf32, #tpu.memory_space<vmem>> -> memref<128x64xf32, #tpu.memory_space<vmem>>
    %dma_start3A_103 = arith.constant 0 : i32
    %dma_start3A_104 = tpu.memref_slice %arg8[%dma_start3A_103] : memref<10000xi32, #tpu.memory_space<vmem>> -> memref<128xi32, #tpu.memory_space<vmem>>
    %dma_start3A_105 = arith.constant 0 : i32
    %dma_start3A_106 = arith.constant 0 : i32
    %dma_start3A_107 = tpu.memref_slice %arg2[%dma_start3A_105, %dma_start3A_106] : memref<10112x64xf32, #tpu.memory_space<hbm>> -> memref<10112x64xf32, #tpu.memory_space<hbm>>
    tpu.enqueue_indirect_dma source(%dma_start3A_107 : memref<10112x64xf32, #tpu.memory_space<hbm>>) target(%dma_start3A_102 : memref<128x64xf32, #tpu.memory_space<vmem>>) offsets(%dma_start3A_104 : memref<128xi32, #tpu.memory_space<vmem>>) semaphore(%arg13 : memref<!tpu.dma_semaphore, #tpu.memory_space<semaphore_mem>>)
    %dma_start3A_108 = arith.constant 1 : i32
    %dma_start3A_109 = arith.constant 0 : i32
    %dma_start3A_110 = arith.constant 0 : i32
    %dma_start3A_111 = tpu.memref_slice %arg10[%dma_start3A_108, %dma_start3A_109, %dma_start3A_110] : memref<6x128x64xf32, #tpu.memory_space<vmem>> -> memref<1x128x64xf32, #tpu.memory_space<vmem>>
    %dma_start3A_112 = tpu.memref_squeeze %dma_start3A_111 : memref<1x128x64xf32, #tpu.memory_space<vmem>> -> memref<128x64xf32, #tpu.memory_space<vmem>>
    %dma_start3A_113 = arith.constant 128 : i32
    %dma_start3A_114 = tpu.memref_slice %arg8[%dma_start3A_113] : memref<10000xi32, #tpu.memory_space<vmem>> -> memref<128xi32, #tpu.memory_space<vmem>>
    %dma_start3A_115 = arith.constant 0 : i32
    %dma_start3A_116 = arith.constant 0 : i32
    %dma_start3A_117 = tpu.memref_slice %arg2[%dma_start3A_115, %dma_start3A_116] : memref<10112x64xf32, #tpu.memory_space<hbm>> -> memref<10112x64xf32, #tpu.memory_space<hbm>>
    tpu.enqueue_indirect_dma source(%dma_start3A_117 : memref<10112x64xf32, #tpu.memory_space<hbm>>) target(%dma_start3A_112 : memref<128x64xf32, #tpu.memory_space<vmem>>) offsets(%dma_start3A_114 : memref<128xi32, #tpu.memory_space<vmem>>) semaphore(%arg13 : memref<!tpu.dma_semaphore, #tpu.memory_space<semaphore_mem>>)
    %dma_start3A_118 = arith.constant 2 : i32
    %dma_start3A_119 = arith.constant 0 : i32
    %dma_start3A_120 = arith.constant 0 : i32
    %dma_start3A_121 = tpu.memref_slice %arg10[%dma_start3A_118, %dma_start3A_119, %dma_start3A_120] : memref<6x128x64xf32, #tpu.memory_space<vmem>> -> memref<1x128x64xf32, #tpu.memory_space<vmem>>
    %dma_start3A_122 = tpu.memref_squeeze %dma_start3A_121 : memref<1x128x64xf32, #tpu.memory_space<vmem>> -> memref<128x64xf32, #tpu.memory_space<vmem>>
    %dma_start3A_123 = arith.constant 256 : i32
    %dma_start3A_124 = tpu.memref_slice %arg8[%dma_start3A_123] : memref<10000xi32, #tpu.memory_space<vmem>> -> memref<128xi32, #tpu.memory_space<vmem>>
    %dma_start3A_125 = arith.constant 0 : i32
    %dma_start3A_126 = arith.constant 0 : i32
    %dma_start3A_127 = tpu.memref_slice %arg2[%dma_start3A_125, %dma_start3A_126] : memref<10112x64xf32, #tpu.memory_space<hbm>> -> memref<10112x64xf32, #tpu.memory_space<hbm>>
    tpu.enqueue_indirect_dma source(%dma_start3A_127 : memref<10112x64xf32, #tpu.memory_space<hbm>>) target(%dma_start3A_122 : memref<128x64xf32, #tpu.memory_space<vmem>>) offsets(%dma_start3A_124 : memref<128xi32, #tpu.memory_space<vmem>>) semaphore(%arg13 : memref<!tpu.dma_semaphore, #tpu.memory_space<semaphore_mem>>)
    %dma_start3A_128 = arith.constant 3 : i32
    %dma_start3A_129 = arith.constant 0 : i32
    %dma_start3A_130 = arith.constant 0 : i32
    %dma_start3A_131 = tpu.memref_slice %arg10[%dma_start3A_128, %dma_start3A_129, %dma_start3A_130] : memref<6x128x64xf32, #tpu.memory_space<vmem>> -> memref<1x128x64xf32, #tpu.memory_space<vmem>>
    %dma_start3A_132 = tpu.memref_squeeze %dma_start3A_131 : memref<1x128x64xf32, #tpu.memory_space<vmem>> -> memref<128x64xf32, #tpu.memory_space<vmem>>
    %dma_start3A_133 = arith.constant 384 : i32
    %dma_start3A_134 = tpu.memref_slice %arg8[%dma_start3A_133] : memref<10000xi32, #tpu.memory_space<vmem>> -> memref<128xi32, #tpu.memory_space<vmem>>
    %dma_start3A_135 = arith.constant 0 : i32
    %dma_start3A_136 = arith.constant 0 : i32
    %dma_start3A_137 = tpu.memref_slice %arg2[%dma_start3A_135, %dma_start3A_136] : memref<10112x64xf32, #tpu.memory_space<hbm>> -> memref<10112x64xf32, #tpu.memory_space<hbm>>
    tpu.enqueue_indirect_dma source(%dma_start3A_137 : memref<10112x64xf32, #tpu.memory_space<hbm>>) target(%dma_start3A_132 : memref<128x64xf32, #tpu.memory_space<vmem>>) offsets(%dma_start3A_134 : memref<128xi32, #tpu.memory_space<vmem>>) semaphore(%arg13 : memref<!tpu.dma_semaphore, #tpu.memory_space<semaphore_mem>>)
    %scan3A_138 = arith.constant 0 : i32
    %scan3A_139 = arith.constant 0 : i32
    %scan3A_140 = arith.constant 78 : i32
    %scan3A_141 = arith.addi %scan3A_139, %scan3A_140 : i32
    %scan3A_142 = arith.constant 1 : i32
    scf.for %scan3A_186 = %scan3A_139 to %scan3A_141 step %scan3A_142  : i32 {
      %rem3A_187 = arith.constant 6 : i32
      %rem3A_188 = arith.remsi %scan3A_186, %rem3A_187 : i32
      %mul3A_189 = arith.constant 128 : i32
      %mul3A_190 = arith.muli %scan3A_186, %mul3A_189 : i32
      %dma_wait3A_191 = arith.constant 0 : i32
      %dma_wait3A_192 = arith.constant 0 : i32
      %dma_wait3A_193 = tpu.memref_slice %arg10[%rem3A_188, %dma_wait3A_191, %dma_wait3A_192] : memref<6x128x64xf32, #tpu.memory_space<vmem>> -> memref<1x128x64xf32, #tpu.memory_space<vmem>>
      %dma_wait3A_194 = tpu.memref_squeeze %dma_wait3A_193 : memref<1x128x64xf32, #tpu.memory_space<vmem>> -> memref<128x64xf32, #tpu.memory_space<vmem>>
      %dma_wait3A_195 = tpu.memref_slice %arg8[%mul3A_190] : memref<10000xi32, #tpu.memory_space<vmem>> -> memref<128xi32, #tpu.memory_space<vmem>>
      %dma_wait3A_196 = arith.constant 0 : i32
      %dma_wait3A_197 = arith.constant 0 : i32
      %dma_wait3A_198 = tpu.memref_slice %arg2[%dma_wait3A_196, %dma_wait3A_197] : memref<10112x64xf32, #tpu.memory_space<hbm>> -> memref<10112x64xf32, #tpu.memory_space<hbm>>
      tpu.wait_indirect_dma semaphore(%arg13 : memref<!tpu.dma_semaphore, #tpu.memory_space<semaphore_mem>>) src(%dma_wait3A_198 : memref<10112x64xf32, #tpu.memory_space<hbm>>) dst(%dma_wait3A_194 : memref<128x64xf32, #tpu.memory_space<vmem>>)
      %ge3A = arith.constant 2 : i32
      %ge3A_199 = arith.cmpi sge, %scan3A_186, %ge3A : i32
      %convert_element_type3A = arith.extui %ge3A_199 : i1 to i32
      %cond3A = arith.constant 0 : i32
      %cond3A_200 = arith.cmpi ne, %convert_element_type3A, %cond3A : i32
      scf.if %cond3A_200 {
        %mul3A_223 = arith.constant 128 : i32
        %mul3A_224 = arith.muli %scan3A_186, %mul3A_223 : i32
        %dma_wait3A_225 = arith.constant 0 : i32
        %dma_wait3A_226 = arith.constant 0 : i32
        %dma_wait3A_227 = tpu.memref_slice %arg10[%rem3A_188, %dma_wait3A_225, %dma_wait3A_226] : memref<6x128x64xf32, #tpu.memory_space<vmem>> -> memref<1x128x64xf32, #tpu.memory_space<vmem>>
        %dma_wait3A_228 = tpu.memref_squeeze %dma_wait3A_227 : memref<1x128x64xf32, #tpu.memory_space<vmem>> -> memref<128x64xf32, #tpu.memory_space<vmem>>
        %dma_wait3A_229 = tpu.memref_slice %arg9[%mul3A_224] : memref<10000xi32, #tpu.memory_space<vmem>> -> memref<128xi32, #tpu.memory_space<vmem>>
        %dma_wait3A_230 = arith.constant 0 : i32
        %dma_wait3A_231 = arith.constant 0 : i32
        %dma_wait3A_232 = tpu.memref_slice %arg6[%dma_wait3A_230, %dma_wait3A_231] : memref<10112x64xf32, #tpu.memory_space<vmem_shared>> -> memref<10112x64xf32, #tpu.memory_space<vmem_shared>>
        tpu.wait_indirect_dma semaphore(%arg14 : memref<!tpu.dma_semaphore, #tpu.memory_space<semaphore_mem>>) src(%dma_wait3A_228 : memref<128x64xf32, #tpu.memory_space<vmem>>) dst(%dma_wait3A_232 : memref<10112x64xf32, #tpu.memory_space<vmem_shared>>)
        %mul3A_233 = arith.constant 128 : i32
        %mul3A_234 = arith.muli %scan3A_186, %mul3A_233 : i32
        %dma_wait3A_235 = tpu.memref_slice %arg9[%mul3A_234] : memref<10000xi32, #tpu.memory_space<vmem>> -> memref<128xi32, #tpu.memory_space<vmem>>
        %dma_wait3A_236 = arith.constant 0 : i32
        %dma_wait3A_237 = arith.constant 0 : i32
        %dma_wait3A_238 = tpu.memref_slice %arg7[%dma_wait3A_236, %dma_wait3A_237] : memref<10112x16xf32, #tpu.memory_space<vmem_shared>> -> memref<10112x16xf32, #tpu.memory_space<vmem_shared>>
        tpu.wait_indirect_dma semaphore(%arg15 : memref<!tpu.dma_semaphore, #tpu.memory_space<semaphore_mem>>) src(%arg11 : memref<128x16xf32, #tpu.memory_space<vmem>>) dst(%dma_wait3A_238 : memref<10112x16xf32, #tpu.memory_space<vmem_shared>>)
      } else {
      }
      %add3A_201 = arith.constant 4 : i32
      %add3A_202 = arith.addi %scan3A_186, %add3A_201 : i32
      %lt3A = arith.constant 78 : i32
      %lt3A_203 = arith.cmpi slt, %add3A_202, %lt3A : i32
      %convert_element_type3A_204 = arith.extui %lt3A_203 : i1 to i32
      %cond3A_205 = arith.constant 0 : i32
      %cond3A_206 = arith.cmpi ne, %convert_element_type3A_204, %cond3A_205 : i32
      scf.if %cond3A_206 {
        %add3A_223 = arith.constant 4 : i32
        %add3A_224 = arith.addi %scan3A_186, %add3A_223 : i32
        %mul3A_225 = arith.constant 128 : i32
        %mul3A_226 = arith.muli %add3A_224, %mul3A_225 : i32
        %add3A_227 = arith.constant 4 : i32
        %add3A_228 = arith.addi %scan3A_186, %add3A_227 : i32
        %rem3A_229 = arith.constant 6 : i32
        %rem3A_230 = arith.remsi %add3A_228, %rem3A_229 : i32
        %dma_start3A_231 = arith.constant 0 : i32
        %dma_start3A_232 = arith.constant 0 : i32
        %dma_start3A_233 = tpu.memref_slice %arg10[%rem3A_230, %dma_start3A_231, %dma_start3A_232] : memref<6x128x64xf32, #tpu.memory_space<vmem>> -> memref<1x128x64xf32, #tpu.memory_space<vmem>>
        %dma_start3A_234 = tpu.memref_squeeze %dma_start3A_233 : memref<1x128x64xf32, #tpu.memory_space<vmem>> -> memref<128x64xf32, #tpu.memory_space<vmem>>
        %dma_start3A_235 = tpu.memref_slice %arg8[%mul3A_226] : memref<10000xi32, #tpu.memory_space<vmem>> -> memref<128xi32, #tpu.memory_space<vmem>>
        %dma_start3A_236 = arith.constant 0 : i32
        %dma_start3A_237 = arith.constant 0 : i32
        %dma_start3A_238 = tpu.memref_slice %arg2[%dma_start3A_236, %dma_start3A_237] : memref<10112x64xf32, #tpu.memory_space<hbm>> -> memref<10112x64xf32, #tpu.memory_space<hbm>>
        tpu.enqueue_indirect_dma source(%dma_start3A_238 : memref<10112x64xf32, #tpu.memory_space<hbm>>) target(%dma_start3A_234 : memref<128x64xf32, #tpu.memory_space<vmem>>) offsets(%dma_start3A_235 : memref<128xi32, #tpu.memory_space<vmem>>) semaphore(%arg13 : memref<!tpu.dma_semaphore, #tpu.memory_space<semaphore_mem>>)
      } else {
      }
      %mul3A_207 = arith.constant 128 : i32
      %mul3A_208 = arith.muli %scan3A_186, %mul3A_207 : i32
      %dma_start3A_209 = arith.constant 0 : i32
      %dma_start3A_210 = arith.constant 0 : i32
      %dma_start3A_211 = tpu.memref_slice %arg10[%rem3A_188, %dma_start3A_209, %dma_start3A_210] : memref<6x128x64xf32, #tpu.memory_space<vmem>> -> memref<1x128x64xf32, #tpu.memory_space<vmem>>
      %dma_start3A_212 = tpu.memref_squeeze %dma_start3A_211 : memref<1x128x64xf32, #tpu.memory_space<vmem>> -> memref<128x64xf32, #tpu.memory_space<vmem>>
      %dma_start3A_213 = tpu.memref_slice %arg9[%mul3A_208] : memref<10000xi32, #tpu.memory_space<vmem>> -> memref<128xi32, #tpu.memory_space<vmem>>
      %dma_start3A_214 = arith.constant 0 : i32
      %dma_start3A_215 = arith.constant 0 : i32
      %dma_start3A_216 = tpu.memref_slice %arg6[%dma_start3A_214, %dma_start3A_215] : memref<10112x64xf32, #tpu.memory_space<vmem_shared>> -> memref<10112x64xf32, #tpu.memory_space<vmem_shared>>
      tpu.enqueue_indirect_dma source(%dma_start3A_212 : memref<128x64xf32, #tpu.memory_space<vmem>>) target(%dma_start3A_216 : memref<10112x64xf32, #tpu.memory_space<vmem_shared>>) offsets(%dma_start3A_213 : memref<128xi32, #tpu.memory_space<vmem>>) semaphore(%arg14 : memref<!tpu.dma_semaphore, #tpu.memory_space<semaphore_mem>>) {add = true}
      %mul3A_217 = arith.constant 128 : i32
      %mul3A_218 = arith.muli %scan3A_186, %mul3A_217 : i32
      %dma_start3A_219 = tpu.memref_slice %arg9[%mul3A_218] : memref<10000xi32, #tpu.memory_space<vmem>> -> memref<128xi32, #tpu.memory_space<vmem>>
      %dma_start3A_220 = arith.constant 0 : i32
      %dma_start3A_221 = arith.constant 0 : i32
      %dma_start3A_222 = tpu.memref_slice %arg7[%dma_start3A_220, %dma_start3A_221] : memref<10112x16xf32, #tpu.memory_space<vmem_shared>> -> memref<10112x16xf32, #tpu.memory_space<vmem_shared>>
      tpu.enqueue_indirect_dma source(%arg11 : memref<128x16xf32, #tpu.memory_space<vmem>>) target(%dma_start3A_222 : memref<10112x16xf32, #tpu.memory_space<vmem_shared>>) offsets(%dma_start3A_219 : memref<128xi32, #tpu.memory_space<vmem>>) semaphore(%arg15 : memref<!tpu.dma_semaphore, #tpu.memory_space<semaphore_mem>>) {add = true}
    }
    %scan3A_143 = arith.constant 78 : i32
    %rem3A = arith.constant 76 : i32
    %rem3A_144 = arith.constant 6 : i32
    %rem3A_145 = arith.remsi %rem3A, %rem3A_144 : i32
    %dma_wait3A_146 = arith.constant 0 : i32
    %dma_wait3A_147 = arith.constant 0 : i32
    %dma_wait3A_148 = tpu.memref_slice %arg10[%rem3A_145, %dma_wait3A_146, %dma_wait3A_147] : memref<6x128x64xf32, #tpu.memory_space<vmem>> -> memref<1x128x64xf32, #tpu.memory_space<vmem>>
    %dma_wait3A_149 = tpu.memref_squeeze %dma_wait3A_148 : memref<1x128x64xf32, #tpu.memory_space<vmem>> -> memref<128x64xf32, #tpu.memory_space<vmem>>
    %dma_wait3A_150 = arith.constant 9728 : i32
    %dma_wait3A_151 = tpu.memref_slice %arg9[%dma_wait3A_150] : memref<10000xi32, #tpu.memory_space<vmem>> -> memref<128xi32, #tpu.memory_space<vmem>>
    %dma_wait3A_152 = arith.constant 0 : i32
    %dma_wait3A_153 = arith.constant 0 : i32
    %dma_wait3A_154 = tpu.memref_slice %arg6[%dma_wait3A_152, %dma_wait3A_153] : memref<10112x64xf32, #tpu.memory_space<vmem_shared>> -> memref<10112x64xf32, #tpu.memory_space<vmem_shared>>
    tpu.wait_indirect_dma semaphore(%arg14 : memref<!tpu.dma_semaphore, #tpu.memory_space<semaphore_mem>>) src(%dma_wait3A_149 : memref<128x64xf32, #tpu.memory_space<vmem>>) dst(%dma_wait3A_154 : memref<10112x64xf32, #tpu.memory_space<vmem_shared>>)
    %dma_wait3A_155 = arith.constant 9728 : i32
    %dma_wait3A_156 = tpu.memref_slice %arg9[%dma_wait3A_155] : memref<10000xi32, #tpu.memory_space<vmem>> -> memref<128xi32, #tpu.memory_space<vmem>>
    %dma_wait3A_157 = arith.constant 0 : i32
    %dma_wait3A_158 = arith.constant 0 : i32
    %dma_wait3A_159 = tpu.memref_slice %arg7[%dma_wait3A_157, %dma_wait3A_158] : memref<10112x16xf32, #tpu.memory_space<vmem_shared>> -> memref<10112x16xf32, #tpu.memory_space<vmem_shared>>
    tpu.wait_indirect_dma semaphore(%arg15 : memref<!tpu.dma_semaphore, #tpu.memory_space<semaphore_mem>>) src(%arg11 : memref<128x16xf32, #tpu.memory_space<vmem>>) dst(%dma_wait3A_159 : memref<10112x16xf32, #tpu.memory_space<vmem_shared>>)
    %rem3A_160 = arith.constant 77 : i32
    %rem3A_161 = arith.constant 6 : i32
    %rem3A_162 = arith.remsi %rem3A_160, %rem3A_161 : i32
    %dma_wait3A_163 = arith.constant 0 : i32
    %dma_wait3A_164 = arith.constant 0 : i32
    %dma_wait3A_165 = tpu.memref_slice %arg10[%rem3A_162, %dma_wait3A_163, %dma_wait3A_164] : memref<6x128x64xf32, #tpu.memory_space<vmem>> -> memref<1x128x64xf32, #tpu.memory_space<vmem>>
    %dma_wait3A_166 = tpu.memref_squeeze %dma_wait3A_165 : memref<1x128x64xf32, #tpu.memory_space<vmem>> -> memref<128x64xf32, #tpu.memory_space<vmem>>
    %dma_wait3A_167 = arith.constant 9856 : i32
    %dma_wait3A_168 = tpu.memref_slice %arg9[%dma_wait3A_167] : memref<10000xi32, #tpu.memory_space<vmem>> -> memref<128xi32, #tpu.memory_space<vmem>>
    %dma_wait3A_169 = arith.constant 0 : i32
    %dma_wait3A_170 = arith.constant 0 : i32
    %dma_wait3A_171 = tpu.memref_slice %arg6[%dma_wait3A_169, %dma_wait3A_170] : memref<10112x64xf32, #tpu.memory_space<vmem_shared>> -> memref<10112x64xf32, #tpu.memory_space<vmem_shared>>
    tpu.wait_indirect_dma semaphore(%arg14 : memref<!tpu.dma_semaphore, #tpu.memory_space<semaphore_mem>>) src(%dma_wait3A_166 : memref<128x64xf32, #tpu.memory_space<vmem>>) dst(%dma_wait3A_171 : memref<10112x64xf32, #tpu.memory_space<vmem_shared>>)
    %dma_wait3A_172 = arith.constant 9856 : i32
    %dma_wait3A_173 = tpu.memref_slice %arg9[%dma_wait3A_172] : memref<10000xi32, #tpu.memory_space<vmem>> -> memref<128xi32, #tpu.memory_space<vmem>>
    %dma_wait3A_174 = arith.constant 0 : i32
    %dma_wait3A_175 = arith.constant 0 : i32
    %dma_wait3A_176 = tpu.memref_slice %arg7[%dma_wait3A_174, %dma_wait3A_175] : memref<10112x16xf32, #tpu.memory_space<vmem_shared>> -> memref<10112x16xf32, #tpu.memory_space<vmem_shared>>
    tpu.wait_indirect_dma semaphore(%arg15 : memref<!tpu.dma_semaphore, #tpu.memory_space<semaphore_mem>>) src(%arg11 : memref<128x16xf32, #tpu.memory_space<vmem>>) dst(%dma_wait3A_176 : memref<10112x16xf32, #tpu.memory_space<vmem_shared>>)
    "tpu.region"() ({
      %run_scoped3A_186 = tpu.sem_alloc : memref<!tpu.dma_semaphore, #tpu.memory_space<semaphore_mem>>
      %dma_start3A_187 = arith.constant 9984 : i32
      %dma_start3A_188 = tpu.memref_slice %arg8[%dma_start3A_187] : memref<10000xi32, #tpu.memory_space<vmem>> -> memref<16xi32, #tpu.memory_space<vmem>>
      %dma_start3A_189 = arith.constant 0 : i32
      %dma_start3A_190 = arith.constant 0 : i32
      %dma_start3A_191 = tpu.memref_slice %arg2[%dma_start3A_189, %dma_start3A_190] : memref<10112x64xf32, #tpu.memory_space<hbm>> -> memref<10112x64xf32, #tpu.memory_space<hbm>>
      tpu.enqueue_indirect_dma source(%dma_start3A_191 : memref<10112x64xf32, #tpu.memory_space<hbm>>) target(%arg12 : memref<16x64xf32, #tpu.memory_space<vmem>>) offsets(%dma_start3A_188 : memref<16xi32, #tpu.memory_space<vmem>>) semaphore(%run_scoped3A_186 : memref<!tpu.dma_semaphore, #tpu.memory_space<semaphore_mem>>)
      %dma_wait3A_192 = arith.constant 9984 : i32
      %dma_wait3A_193 = tpu.memref_slice %arg8[%dma_wait3A_192] : memref<10000xi32, #tpu.memory_space<vmem>> -> memref<16xi32, #tpu.memory_space<vmem>>
      %dma_wait3A_194 = arith.constant 0 : i32
      %dma_wait3A_195 = arith.constant 0 : i32
      %dma_wait3A_196 = tpu.memref_slice %arg2[%dma_wait3A_194, %dma_wait3A_195] : memref<10112x64xf32, #tpu.memory_space<hbm>> -> memref<10112x64xf32, #tpu.memory_space<hbm>>
      tpu.wait_indirect_dma semaphore(%run_scoped3A_186 : memref<!tpu.dma_semaphore, #tpu.memory_space<semaphore_mem>>) src(%dma_wait3A_196 : memref<10112x64xf32, #tpu.memory_space<hbm>>) dst(%arg12 : memref<16x64xf32, #tpu.memory_space<vmem>>)
      tpu.yield
    }) : () -> ()
    "tpu.region"() ({
      %run_scoped3A_186 = tpu.sem_alloc : memref<!tpu.dma_semaphore, #tpu.memory_space<semaphore_mem>>
      %dma_start3A_187 = arith.constant 9984 : i32
      %dma_start3A_188 = tpu.memref_slice %arg9[%dma_start3A_187] : memref<10000xi32, #tpu.memory_space<vmem>> -> memref<16xi32, #tpu.memory_space<vmem>>
      %dma_start3A_189 = arith.constant 0 : i32
      %dma_start3A_190 = arith.constant 0 : i32
      %dma_start3A_191 = tpu.memref_slice %arg6[%dma_start3A_189, %dma_start3A_190] : memref<10112x64xf32, #tpu.memory_space<vmem_shared>> -> memref<10112x64xf32, #tpu.memory_space<vmem_shared>>
      tpu.enqueue_indirect_dma source(%arg12 : memref<16x64xf32, #tpu.memory_space<vmem>>) target(%dma_start3A_191 : memref<10112x64xf32, #tpu.memory_space<vmem_shared>>) offsets(%dma_start3A_188 : memref<16xi32, #tpu.memory_space<vmem>>) semaphore(%run_scoped3A_186 : memref<!tpu.dma_semaphore, #tpu.memory_space<semaphore_mem>>) {add = true}
      %dma_wait3A_192 = arith.constant 9984 : i32
      %dma_wait3A_193 = tpu.memref_slice %arg9[%dma_wait3A_192] : memref<10000xi32, #tpu.memory_space<vmem>> -> memref<16xi32, #tpu.memory_space<vmem>>
      %dma_wait3A_194 = arith.constant 0 : i32
      %dma_wait3A_195 = arith.constant 0 : i32
      %dma_wait3A_196 = tpu.memref_slice %arg6[%dma_wait3A_194, %dma_wait3A_195] : memref<10112x64xf32, #tpu.memory_space<vmem_shared>> -> memref<10112x64xf32, #tpu.memory_space<vmem_shared>>
      tpu.wait_indirect_dma semaphore(%run_scoped3A_186 : memref<!tpu.dma_semaphore, #tpu.memory_space<semaphore_mem>>) src(%arg12 : memref<16x64xf32, #tpu.memory_space<vmem>>) dst(%dma_wait3A_196 : memref<10112x64xf32, #tpu.memory_space<vmem_shared>>)
      tpu.yield
    }) : () -> ()
    "tpu.region"() ({
      %run_scoped3A_186 = tpu.sem_alloc : memref<!tpu.dma_semaphore, #tpu.memory_space<semaphore_mem>>
      %dma_start3A_187 = arith.constant 0 : i32
      %dma_start3A_188 = arith.constant 0 : i32
      %dma_start3A_189 = tpu.memref_slice %arg11[%dma_start3A_187, %dma_start3A_188] : memref<128x16xf32, #tpu.memory_space<vmem>> -> memref<16x16xf32, #tpu.memory_space<vmem>>
      %dma_start3A_190 = arith.constant 9984 : i32
      %dma_start3A_191 = tpu.memref_slice %arg9[%dma_start3A_190] : memref<10000xi32, #tpu.memory_space<vmem>> -> memref<16xi32, #tpu.memory_space<vmem>>
      %dma_start3A_192 = arith.constant 0 : i32
      %dma_start3A_193 = arith.constant 0 : i32
      %dma_start3A_194 = tpu.memref_slice %arg7[%dma_start3A_192, %dma_start3A_193] : memref<10112x16xf32, #tpu.memory_space<vmem_shared>> -> memref<10112x16xf32, #tpu.memory_space<vmem_shared>>
      tpu.enqueue_indirect_dma source(%dma_start3A_189 : memref<16x16xf32, #tpu.memory_space<vmem>>) target(%dma_start3A_194 : memref<10112x16xf32, #tpu.memory_space<vmem_shared>>) offsets(%dma_start3A_191 : memref<16xi32, #tpu.memory_space<vmem>>) semaphore(%run_scoped3A_186 : memref<!tpu.dma_semaphore, #tpu.memory_space<semaphore_mem>>) {add = true}
      %dma_wait3A_195 = arith.constant 0 : i32
      %dma_wait3A_196 = arith.constant 0 : i32
      %dma_wait3A_197 = tpu.memref_slice %arg11[%dma_wait3A_195, %dma_wait3A_196] : memref<128x16xf32, #tpu.memory_space<vmem>> -> memref<16x16xf32, #tpu.memory_space<vmem>>
      %dma_wait3A_198 = arith.constant 9984 : i32
      %dma_wait3A_199 = tpu.memref_slice %arg9[%dma_wait3A_198] : memref<10000xi32, #tpu.memory_space<vmem>> -> memref<16xi32, #tpu.memory_space<vmem>>
      %dma_wait3A_200 = arith.constant 0 : i32
      %dma_wait3A_201 = arith.constant 0 : i32
      %dma_wait3A_202 = tpu.memref_slice %arg7[%dma_wait3A_200, %dma_wait3A_201] : memref<10112x16xf32, #tpu.memory_space<vmem_shared>> -> memref<10112x16xf32, #tpu.memory_space<vmem_shared>>
      tpu.wait_indirect_dma semaphore(%run_scoped3A_186 : memref<!tpu.dma_semaphore, #tpu.memory_space<semaphore_mem>>) src(%dma_wait3A_197 : memref<16x16xf32, #tpu.memory_space<vmem>>) dst(%dma_wait3A_202 : memref<10112x16xf32, #tpu.memory_space<vmem_shared>>)
      tpu.yield
    }) : () -> ()
    %barrier3A_177 = arith.constant 0 : index
    tpu.barrier barrier_id(%barrier3A_177)
    %mul3A_178 = arith.constant 632 : i32
    %mul3A_179 = arith.muli %arg1, %mul3A_178 : i32
    %mul3A_180 = arith.constant 632 : i32
    %mul3A_181 = arith.muli %arg1, %mul3A_180 : i32
    "tpu.region"() ({
      %run_scoped3A_186 = tpu.sem_alloc : memref<!tpu.dma_semaphore, #tpu.memory_space<semaphore_mem>>
      %dma_start3A_187 = arith.constant 0 : i32
      %dma_start3A_188 = arith.constant 0 : i32
      %dma_start3A_189 = tpu.memref_slice %arg4[%arg0, %dma_start3A_187, %dma_start3A_188] : memref<2x10112x64xf32, #tpu.memory_space<hbm>> -> memref<1x10112x64xf32, #tpu.memory_space<hbm>>
      %dma_start3A_190 = tpu.memref_squeeze %dma_start3A_189 : memref<1x10112x64xf32, #tpu.memory_space<hbm>> -> memref<10112x64xf32, #tpu.memory_space<hbm>>
      %dma_start3A_191 = arith.constant 0 : i32
      %dma_start3A_192 = tpu.memref_slice %dma_start3A_190[%mul3A_181, %dma_start3A_191] : memref<10112x64xf32, #tpu.memory_space<hbm>> -> memref<632x64xf32, #tpu.memory_space<hbm>>
      %dma_start3A_193 = arith.constant 0 : i32
      %dma_start3A_194 = tpu.memref_slice %arg6[%mul3A_179, %dma_start3A_193] : memref<10112x64xf32, #tpu.memory_space<vmem_shared>> -> memref<632x64xf32, #tpu.memory_space<vmem_shared>>
      tpu.enqueue_dma source(%dma_start3A_194 : memref<632x64xf32, #tpu.memory_space<vmem_shared>>) target(%dma_start3A_192 : memref<632x64xf32, #tpu.memory_space<hbm>>) target_semaphore(%run_scoped3A_186 : memref<!tpu.dma_semaphore, #tpu.memory_space<semaphore_mem>>)
      %dma_wait3A_195 = arith.constant 0 : i32
      %dma_wait3A_196 = arith.constant 0 : i32
      %dma_wait3A_197 = tpu.memref_slice %arg4[%arg0, %dma_wait3A_195, %dma_wait3A_196] : memref<2x10112x64xf32, #tpu.memory_space<hbm>> -> memref<1x10112x64xf32, #tpu.memory_space<hbm>>
      %dma_wait3A_198 = tpu.memref_squeeze %dma_wait3A_197 : memref<1x10112x64xf32, #tpu.memory_space<hbm>> -> memref<10112x64xf32, #tpu.memory_space<hbm>>
      %dma_wait3A_199 = arith.constant 0 : i32
      %dma_wait3A_200 = tpu.memref_slice %dma_wait3A_198[%mul3A_181, %dma_wait3A_199] : memref<10112x64xf32, #tpu.memory_space<hbm>> -> memref<632x64xf32, #tpu.memory_space<hbm>>
      %dma_wait3A_201 = arith.constant 0 : i32
      %dma_wait3A_202 = tpu.memref_slice %arg6[%mul3A_179, %dma_wait3A_201] : memref<10112x64xf32, #tpu.memory_space<vmem_shared>> -> memref<632x64xf32, #tpu.memory_space<vmem_shared>>
      tpu.wait_dma2 semaphore(%run_scoped3A_186 : memref<!tpu.dma_semaphore, #tpu.memory_space<semaphore_mem>>) src(%dma_wait3A_202 : memref<632x64xf32, #tpu.memory_space<vmem_shared>>) dst(%dma_wait3A_200 : memref<632x64xf32, #tpu.memory_space<hbm>>)
      tpu.yield
    }) : () -> ()
    %mul3A_182 = arith.constant 632 : i32
    %mul3A_183 = arith.muli %arg1, %mul3A_182 : i32
    %mul3A_184 = arith.constant 632 : i32
    %mul3A_185 = arith.muli %arg1, %mul3A_184 : i32
    "tpu.region"() ({
      %run_scoped3A_186 = tpu.sem_alloc : memref<!tpu.dma_semaphore, #tpu.memory_space<semaphore_mem>>
      %dma_start3A_187 = arith.constant 0 : i32
      %dma_start3A_188 = arith.constant 0 : i32
      %dma_start3A_189 = tpu.memref_slice %arg5[%arg0, %dma_start3A_187, %dma_start3A_188] : memref<2x10112x16xf32, #tpu.memory_space<hbm>> -> memref<1x10112x16xf32, #tpu.memory_space<hbm>>
      %dma_start3A_190 = tpu.memref_squeeze %dma_start3A_189 : memref<1x10112x16xf32, #tpu.memory_space<hbm>> -> memref<10112x16xf32, #tpu.memory_space<hbm>>
      %dma_start3A_191 = arith.constant 0 : i32
      %dma_start3A_192 = tpu.memref_slice %dma_start3A_190[%mul3A_185, %dma_start3A_191] : memref<10112x16xf32, #tpu.memory_space<hbm>> -> memref<632x16xf32, #tpu.memory_space<hbm>>
      %dma_start3A_193 = arith.constant 0 : i32
      %dma_start3A_194 = tpu.memref_slice %arg7[%mul3A_183, %dma_start3A_193] : memref<10112x16xf32, #tpu.memory_space<vmem_shared>> -> memref<632x16xf32, #tpu.memory_space<vmem_shared>>
      tpu.enqueue_dma source(%dma_start3A_194 : memref<632x16xf32, #tpu.memory_space<vmem_shared>>) target(%dma_start3A_192 : memref<632x16xf32, #tpu.memory_space<hbm>>) target_semaphore(%run_scoped3A_186 : memref<!tpu.dma_semaphore, #tpu.memory_space<semaphore_mem>>)
      %dma_wait3A_195 = arith.constant 0 : i32
      %dma_wait3A_196 = arith.constant 0 : i32
      %dma_wait3A_197 = tpu.memref_slice %arg5[%arg0, %dma_wait3A_195, %dma_wait3A_196] : memref<2x10112x16xf32, #tpu.memory_space<hbm>> -> memref<1x10112x16xf32, #tpu.memory_space<hbm>>
      %dma_wait3A_198 = tpu.memref_squeeze %dma_wait3A_197 : memref<1x10112x16xf32, #tpu.memory_space<hbm>> -> memref<10112x16xf32, #tpu.memory_space<hbm>>
      %dma_wait3A_199 = arith.constant 0 : i32
      %dma_wait3A_200 = tpu.memref_slice %dma_wait3A_198[%mul3A_185, %dma_wait3A_199] : memref<10112x16xf32, #tpu.memory_space<hbm>> -> memref<632x16xf32, #tpu.memory_space<hbm>>
      %dma_wait3A_201 = arith.constant 0 : i32
      %dma_wait3A_202 = tpu.memref_slice %arg7[%mul3A_183, %dma_wait3A_201] : memref<10112x16xf32, #tpu.memory_space<vmem_shared>> -> memref<632x16xf32, #tpu.memory_space<vmem_shared>>
      tpu.wait_dma2 semaphore(%run_scoped3A_186 : memref<!tpu.dma_semaphore, #tpu.memory_space<semaphore_mem>>) src(%dma_wait3A_202 : memref<632x16xf32, #tpu.memory_space<vmem_shared>>) dst(%dma_wait3A_200 : memref<632x16xf32, #tpu.memory_space<hbm>>)
      tpu.yield
    }) : () -> ()
    return
  }
}

#map = affine_map<(d0, d1) -> (0, 0, 0)>
#map1 = affine_map<(d0, d1) -> (0, 0)>
module attributes {stable_mosaic.version = 14 : i64} {
  func.func @_fin_sc_body(%arg0: i32, %arg1: i32, %arg2: memref<2x10112x64xf32, #tpu.memory_space<hbm>>, %arg3: memref<2x10112x16xf32, #tpu.memory_space<hbm>>, %arg4: memref<10112x64xf32, #tpu.memory_space<hbm>>, %arg5: memref<10000x64xf32, #tpu.memory_space<hbm>>, %arg6: memref<313x64xf32, #tpu.memory_space<vmem>>, %arg7: memref<313x64xf32, #tpu.memory_space<vmem>>, %arg8: memref<313x16xf32, #tpu.memory_space<vmem>>, %arg9: memref<313x16xf32, #tpu.memory_space<vmem>>, %arg10: memref<313x64xf32, #tpu.memory_space<vmem>>, %arg11: memref<313x64xf32, #tpu.memory_space<vmem>>, %arg12: memref<!tpu.dma_semaphore, #tpu.memory_space<semaphore_mem>>) attributes {dimension_semantics = [#tpu.dimension_semantics<core_parallel>, #tpu.dimension_semantics<subcore_parallel>], iteration_bounds = array<i64: 2, 16>, scalar_prefetch = 0 : i64, scratch_operands = 7 : i64, tpu.core_type = #tpu.core_type<sc_vector_subcore>, window_params = [{transform_indices = #map}, {transform_indices = #map}, {transform_indices = #map1}, {transform_indices = #map1}]} {
    %mul3A = arith.constant 16 : i32
    %mul3A_0 = arith.muli %arg0, %mul3A : i32
    %add3A = arith.addi %mul3A_0, %arg1 : i32
    %mul3A_1 = arith.constant 313 : i32
    %mul3A_2 = arith.muli %add3A, %mul3A_1 : i32
    %min3A = arith.constant 9687 : i32
    %min3A_3 = arith.minsi %mul3A_2, %min3A : i32
    %dma_start3A = arith.constant 0 : i32
    %dma_start3A_4 = arith.constant 0 : i32
    %dma_start3A_5 = arith.constant 0 : i32
    %dma_start3A_6 = tpu.memref_slice %arg2[%dma_start3A, %dma_start3A_4, %dma_start3A_5] : memref<2x10112x64xf32, #tpu.memory_space<hbm>> -> memref<1x10112x64xf32, #tpu.memory_space<hbm>>
    %dma_start3A_7 = tpu.memref_squeeze %dma_start3A_6 : memref<1x10112x64xf32, #tpu.memory_space<hbm>> -> memref<10112x64xf32, #tpu.memory_space<hbm>>
    %dma_start3A_8 = arith.constant 0 : i32
    %dma_start3A_9 = tpu.memref_slice %dma_start3A_7[%min3A_3, %dma_start3A_8] : memref<10112x64xf32, #tpu.memory_space<hbm>> -> memref<313x64xf32, #tpu.memory_space<hbm>>
    %dma_start3A_10 = arith.constant 0 : i32
    %dma_start3A_11 = arith.constant 0 : i32
    %dma_start3A_12 = tpu.memref_slice %arg2[%dma_start3A, %dma_start3A_10, %dma_start3A_11] : memref<2x10112x64xf32, #tpu.memory_space<hbm>> -> memref<1x10112x64xf32, #tpu.memory_space<hbm>>
    %dma_start3A_13 = tpu.memref_squeeze %dma_start3A_12 : memref<1x10112x64xf32, #tpu.memory_space<hbm>> -> memref<10112x64xf32, #tpu.memory_space<hbm>>
    %dma_start3A_14 = arith.constant 0 : i32
    %dma_start3A_15 = tpu.memref_slice %dma_start3A_13[%min3A_3, %dma_start3A_14] : memref<10112x64xf32, #tpu.memory_space<hbm>> -> memref<313x64xf32, #tpu.memory_space<hbm>>
    tpu.enqueue_dma source(%dma_start3A_15 : memref<313x64xf32, #tpu.memory_space<hbm>>) target(%arg6 : memref<313x64xf32, #tpu.memory_space<vmem>>) target_semaphore(%arg12 : memref<!tpu.dma_semaphore, #tpu.memory_space<semaphore_mem>>)
    %dma_start3A_16 = arith.constant 1 : i32
    %dma_start3A_17 = arith.constant 0 : i32
    %dma_start3A_18 = arith.constant 0 : i32
    %dma_start3A_19 = tpu.memref_slice %arg2[%dma_start3A_16, %dma_start3A_17, %dma_start3A_18] : memref<2x10112x64xf32, #tpu.memory_space<hbm>> -> memref<1x10112x64xf32, #tpu.memory_space<hbm>>
    %dma_start3A_20 = tpu.memref_squeeze %dma_start3A_19 : memref<1x10112x64xf32, #tpu.memory_space<hbm>> -> memref<10112x64xf32, #tpu.memory_space<hbm>>
    %dma_start3A_21 = arith.constant 0 : i32
    %dma_start3A_22 = tpu.memref_slice %dma_start3A_20[%min3A_3, %dma_start3A_21] : memref<10112x64xf32, #tpu.memory_space<hbm>> -> memref<313x64xf32, #tpu.memory_space<hbm>>
    %dma_start3A_23 = arith.constant 0 : i32
    %dma_start3A_24 = arith.constant 0 : i32
    %dma_start3A_25 = tpu.memref_slice %arg2[%dma_start3A_16, %dma_start3A_23, %dma_start3A_24] : memref<2x10112x64xf32, #tpu.memory_space<hbm>> -> memref<1x10112x64xf32, #tpu.memory_space<hbm>>
    %dma_start3A_26 = tpu.memref_squeeze %dma_start3A_25 : memref<1x10112x64xf32, #tpu.memory_space<hbm>> -> memref<10112x64xf32, #tpu.memory_space<hbm>>
    %dma_start3A_27 = arith.constant 0 : i32
    %dma_start3A_28 = tpu.memref_slice %dma_start3A_26[%min3A_3, %dma_start3A_27] : memref<10112x64xf32, #tpu.memory_space<hbm>> -> memref<313x64xf32, #tpu.memory_space<hbm>>
    tpu.enqueue_dma source(%dma_start3A_28 : memref<313x64xf32, #tpu.memory_space<hbm>>) target(%arg7 : memref<313x64xf32, #tpu.memory_space<vmem>>) target_semaphore(%arg12 : memref<!tpu.dma_semaphore, #tpu.memory_space<semaphore_mem>>)
    %dma_start3A_29 = arith.constant 0 : i32
    %dma_start3A_30 = arith.constant 0 : i32
    %dma_start3A_31 = arith.constant 0 : i32
    %dma_start3A_32 = tpu.memref_slice %arg3[%dma_start3A_29, %dma_start3A_30, %dma_start3A_31] : memref<2x10112x16xf32, #tpu.memory_space<hbm>> -> memref<1x10112x16xf32, #tpu.memory_space<hbm>>
    %dma_start3A_33 = tpu.memref_squeeze %dma_start3A_32 : memref<1x10112x16xf32, #tpu.memory_space<hbm>> -> memref<10112x16xf32, #tpu.memory_space<hbm>>
    %dma_start3A_34 = arith.constant 0 : i32
    %dma_start3A_35 = tpu.memref_slice %dma_start3A_33[%min3A_3, %dma_start3A_34] : memref<10112x16xf32, #tpu.memory_space<hbm>> -> memref<313x16xf32, #tpu.memory_space<hbm>>
    %dma_start3A_36 = arith.constant 0 : i32
    %dma_start3A_37 = arith.constant 0 : i32
    %dma_start3A_38 = tpu.memref_slice %arg3[%dma_start3A_29, %dma_start3A_36, %dma_start3A_37] : memref<2x10112x16xf32, #tpu.memory_space<hbm>> -> memref<1x10112x16xf32, #tpu.memory_space<hbm>>
    %dma_start3A_39 = tpu.memref_squeeze %dma_start3A_38 : memref<1x10112x16xf32, #tpu.memory_space<hbm>> -> memref<10112x16xf32, #tpu.memory_space<hbm>>
    %dma_start3A_40 = arith.constant 0 : i32
    %dma_start3A_41 = tpu.memref_slice %dma_start3A_39[%min3A_3, %dma_start3A_40] : memref<10112x16xf32, #tpu.memory_space<hbm>> -> memref<313x16xf32, #tpu.memory_space<hbm>>
    tpu.enqueue_dma source(%dma_start3A_41 : memref<313x16xf32, #tpu.memory_space<hbm>>) target(%arg8 : memref<313x16xf32, #tpu.memory_space<vmem>>) target_semaphore(%arg12 : memref<!tpu.dma_semaphore, #tpu.memory_space<semaphore_mem>>)
    %dma_start3A_42 = arith.constant 1 : i32
    %dma_start3A_43 = arith.constant 0 : i32
    %dma_start3A_44 = arith.constant 0 : i32
    %dma_start3A_45 = tpu.memref_slice %arg3[%dma_start3A_42, %dma_start3A_43, %dma_start3A_44] : memref<2x10112x16xf32, #tpu.memory_space<hbm>> -> memref<1x10112x16xf32, #tpu.memory_space<hbm>>
    %dma_start3A_46 = tpu.memref_squeeze %dma_start3A_45 : memref<1x10112x16xf32, #tpu.memory_space<hbm>> -> memref<10112x16xf32, #tpu.memory_space<hbm>>
    %dma_start3A_47 = arith.constant 0 : i32
    %dma_start3A_48 = tpu.memref_slice %dma_start3A_46[%min3A_3, %dma_start3A_47] : memref<10112x16xf32, #tpu.memory_space<hbm>> -> memref<313x16xf32, #tpu.memory_space<hbm>>
    %dma_start3A_49 = arith.constant 0 : i32
    %dma_start3A_50 = arith.constant 0 : i32
    %dma_start3A_51 = tpu.memref_slice %arg3[%dma_start3A_42, %dma_start3A_49, %dma_start3A_50] : memref<2x10112x16xf32, #tpu.memory_space<hbm>> -> memref<1x10112x16xf32, #tpu.memory_space<hbm>>
    %dma_start3A_52 = tpu.memref_squeeze %dma_start3A_51 : memref<1x10112x16xf32, #tpu.memory_space<hbm>> -> memref<10112x16xf32, #tpu.memory_space<hbm>>
    %dma_start3A_53 = arith.constant 0 : i32
    %dma_start3A_54 = tpu.memref_slice %dma_start3A_52[%min3A_3, %dma_start3A_53] : memref<10112x16xf32, #tpu.memory_space<hbm>> -> memref<313x16xf32, #tpu.memory_space<hbm>>
    tpu.enqueue_dma source(%dma_start3A_54 : memref<313x16xf32, #tpu.memory_space<hbm>>) target(%arg9 : memref<313x16xf32, #tpu.memory_space<vmem>>) target_semaphore(%arg12 : memref<!tpu.dma_semaphore, #tpu.memory_space<semaphore_mem>>)
    %dma_start3A_55 = arith.constant 0 : i32
    %dma_start3A_56 = tpu.memref_slice %arg4[%min3A_3, %dma_start3A_55] : memref<10112x64xf32, #tpu.memory_space<hbm>> -> memref<313x64xf32, #tpu.memory_space<hbm>>
    %dma_start3A_57 = arith.constant 0 : i32
    %dma_start3A_58 = tpu.memref_slice %arg4[%min3A_3, %dma_start3A_57] : memref<10112x64xf32, #tpu.memory_space<hbm>> -> memref<313x64xf32, #tpu.memory_space<hbm>>
    tpu.enqueue_dma source(%dma_start3A_58 : memref<313x64xf32, #tpu.memory_space<hbm>>) target(%arg10 : memref<313x64xf32, #tpu.memory_space<vmem>>) target_semaphore(%arg12 : memref<!tpu.dma_semaphore, #tpu.memory_space<semaphore_mem>>)
    %dma_wait3A = arith.constant 0 : i32
    %dma_wait3A_59 = arith.constant 0 : i32
    %dma_wait3A_60 = arith.constant 0 : i32
    %dma_wait3A_61 = tpu.memref_slice %arg2[%dma_wait3A, %dma_wait3A_59, %dma_wait3A_60] : memref<2x10112x64xf32, #tpu.memory_space<hbm>> -> memref<1x10112x64xf32, #tpu.memory_space<hbm>>
    %dma_wait3A_62 = tpu.memref_squeeze %dma_wait3A_61 : memref<1x10112x64xf32, #tpu.memory_space<hbm>> -> memref<10112x64xf32, #tpu.memory_space<hbm>>
    %dma_wait3A_63 = arith.constant 0 : i32
    %dma_wait3A_64 = tpu.memref_slice %dma_wait3A_62[%min3A_3, %dma_wait3A_63] : memref<10112x64xf32, #tpu.memory_space<hbm>> -> memref<313x64xf32, #tpu.memory_space<hbm>>
    %dma_wait3A_65 = arith.constant 0 : i32
    %dma_wait3A_66 = arith.constant 0 : i32
    %dma_wait3A_67 = tpu.memref_slice %arg2[%dma_wait3A, %dma_wait3A_65, %dma_wait3A_66] : memref<2x10112x64xf32, #tpu.memory_space<hbm>> -> memref<1x10112x64xf32, #tpu.memory_space<hbm>>
    %dma_wait3A_68 = tpu.memref_squeeze %dma_wait3A_67 : memref<1x10112x64xf32, #tpu.memory_space<hbm>> -> memref<10112x64xf32, #tpu.memory_space<hbm>>
    %dma_wait3A_69 = arith.constant 0 : i32
    %dma_wait3A_70 = tpu.memref_slice %dma_wait3A_68[%min3A_3, %dma_wait3A_69] : memref<10112x64xf32, #tpu.memory_space<hbm>> -> memref<313x64xf32, #tpu.memory_space<hbm>>
    tpu.wait_dma2 semaphore(%arg12 : memref<!tpu.dma_semaphore, #tpu.memory_space<semaphore_mem>>) src(%dma_wait3A_70 : memref<313x64xf32, #tpu.memory_space<hbm>>) dst(%arg6 : memref<313x64xf32, #tpu.memory_space<vmem>>)
    %dma_wait3A_71 = arith.constant 1 : i32
    %dma_wait3A_72 = arith.constant 0 : i32
    %dma_wait3A_73 = arith.constant 0 : i32
    %dma_wait3A_74 = tpu.memref_slice %arg2[%dma_wait3A_71, %dma_wait3A_72, %dma_wait3A_73] : memref<2x10112x64xf32, #tpu.memory_space<hbm>> -> memref<1x10112x64xf32, #tpu.memory_space<hbm>>
    %dma_wait3A_75 = tpu.memref_squeeze %dma_wait3A_74 : memref<1x10112x64xf32, #tpu.memory_space<hbm>> -> memref<10112x64xf32, #tpu.memory_space<hbm>>
    %dma_wait3A_76 = arith.constant 0 : i32
    %dma_wait3A_77 = tpu.memref_slice %dma_wait3A_75[%min3A_3, %dma_wait3A_76] : memref<10112x64xf32, #tpu.memory_space<hbm>> -> memref<313x64xf32, #tpu.memory_space<hbm>>
    %dma_wait3A_78 = arith.constant 0 : i32
    %dma_wait3A_79 = arith.constant 0 : i32
    %dma_wait3A_80 = tpu.memref_slice %arg2[%dma_wait3A_71, %dma_wait3A_78, %dma_wait3A_79] : memref<2x10112x64xf32, #tpu.memory_space<hbm>> -> memref<1x10112x64xf32, #tpu.memory_space<hbm>>
    %dma_wait3A_81 = tpu.memref_squeeze %dma_wait3A_80 : memref<1x10112x64xf32, #tpu.memory_space<hbm>> -> memref<10112x64xf32, #tpu.memory_space<hbm>>
    %dma_wait3A_82 = arith.constant 0 : i32
    %dma_wait3A_83 = tpu.memref_slice %dma_wait3A_81[%min3A_3, %dma_wait3A_82] : memref<10112x64xf32, #tpu.memory_space<hbm>> -> memref<313x64xf32, #tpu.memory_space<hbm>>
    tpu.wait_dma2 semaphore(%arg12 : memref<!tpu.dma_semaphore, #tpu.memory_space<semaphore_mem>>) src(%dma_wait3A_83 : memref<313x64xf32, #tpu.memory_space<hbm>>) dst(%arg7 : memref<313x64xf32, #tpu.memory_space<vmem>>)
    %dma_wait3A_84 = arith.constant 0 : i32
    %dma_wait3A_85 = arith.constant 0 : i32
    %dma_wait3A_86 = arith.constant 0 : i32
    %dma_wait3A_87 = tpu.memref_slice %arg3[%dma_wait3A_84, %dma_wait3A_85, %dma_wait3A_86] : memref<2x10112x16xf32, #tpu.memory_space<hbm>> -> memref<1x10112x16xf32, #tpu.memory_space<hbm>>
    %dma_wait3A_88 = tpu.memref_squeeze %dma_wait3A_87 : memref<1x10112x16xf32, #tpu.memory_space<hbm>> -> memref<10112x16xf32, #tpu.memory_space<hbm>>
    %dma_wait3A_89 = arith.constant 0 : i32
    %dma_wait3A_90 = tpu.memref_slice %dma_wait3A_88[%min3A_3, %dma_wait3A_89] : memref<10112x16xf32, #tpu.memory_space<hbm>> -> memref<313x16xf32, #tpu.memory_space<hbm>>
    %dma_wait3A_91 = arith.constant 0 : i32
    %dma_wait3A_92 = arith.constant 0 : i32
    %dma_wait3A_93 = tpu.memref_slice %arg3[%dma_wait3A_84, %dma_wait3A_91, %dma_wait3A_92] : memref<2x10112x16xf32, #tpu.memory_space<hbm>> -> memref<1x10112x16xf32, #tpu.memory_space<hbm>>
    %dma_wait3A_94 = tpu.memref_squeeze %dma_wait3A_93 : memref<1x10112x16xf32, #tpu.memory_space<hbm>> -> memref<10112x16xf32, #tpu.memory_space<hbm>>
    %dma_wait3A_95 = arith.constant 0 : i32
    %dma_wait3A_96 = tpu.memref_slice %dma_wait3A_94[%min3A_3, %dma_wait3A_95] : memref<10112x16xf32, #tpu.memory_space<hbm>> -> memref<313x16xf32, #tpu.memory_space<hbm>>
    tpu.wait_dma2 semaphore(%arg12 : memref<!tpu.dma_semaphore, #tpu.memory_space<semaphore_mem>>) src(%dma_wait3A_96 : memref<313x16xf32, #tpu.memory_space<hbm>>) dst(%arg8 : memref<313x16xf32, #tpu.memory_space<vmem>>)
    %dma_wait3A_97 = arith.constant 1 : i32
    %dma_wait3A_98 = arith.constant 0 : i32
    %dma_wait3A_99 = arith.constant 0 : i32
    %dma_wait3A_100 = tpu.memref_slice %arg3[%dma_wait3A_97, %dma_wait3A_98, %dma_wait3A_99] : memref<2x10112x16xf32, #tpu.memory_space<hbm>> -> memref<1x10112x16xf32, #tpu.memory_space<hbm>>
    %dma_wait3A_101 = tpu.memref_squeeze %dma_wait3A_100 : memref<1x10112x16xf32, #tpu.memory_space<hbm>> -> memref<10112x16xf32, #tpu.memory_space<hbm>>
    %dma_wait3A_102 = arith.constant 0 : i32
    %dma_wait3A_103 = tpu.memref_slice %dma_wait3A_101[%min3A_3, %dma_wait3A_102] : memref<10112x16xf32, #tpu.memory_space<hbm>> -> memref<313x16xf32, #tpu.memory_space<hbm>>
    %dma_wait3A_104 = arith.constant 0 : i32
    %dma_wait3A_105 = arith.constant 0 : i32
    %dma_wait3A_106 = tpu.memref_slice %arg3[%dma_wait3A_97, %dma_wait3A_104, %dma_wait3A_105] : memref<2x10112x16xf32, #tpu.memory_space<hbm>> -> memref<1x10112x16xf32, #tpu.memory_space<hbm>>
    %dma_wait3A_107 = tpu.memref_squeeze %dma_wait3A_106 : memref<1x10112x16xf32, #tpu.memory_space<hbm>> -> memref<10112x16xf32, #tpu.memory_space<hbm>>
    %dma_wait3A_108 = arith.constant 0 : i32
    %dma_wait3A_109 = tpu.memref_slice %dma_wait3A_107[%min3A_3, %dma_wait3A_108] : memref<10112x16xf32, #tpu.memory_space<hbm>> -> memref<313x16xf32, #tpu.memory_space<hbm>>
    tpu.wait_dma2 semaphore(%arg12 : memref<!tpu.dma_semaphore, #tpu.memory_space<semaphore_mem>>) src(%dma_wait3A_109 : memref<313x16xf32, #tpu.memory_space<hbm>>) dst(%arg9 : memref<313x16xf32, #tpu.memory_space<vmem>>)
    %dma_wait3A_110 = arith.constant 0 : i32
    %dma_wait3A_111 = tpu.memref_slice %arg4[%min3A_3, %dma_wait3A_110] : memref<10112x64xf32, #tpu.memory_space<hbm>> -> memref<313x64xf32, #tpu.memory_space<hbm>>
    %dma_wait3A_112 = arith.constant 0 : i32
    %dma_wait3A_113 = tpu.memref_slice %arg4[%min3A_3, %dma_wait3A_112] : memref<10112x64xf32, #tpu.memory_space<hbm>> -> memref<313x64xf32, #tpu.memory_space<hbm>>
    tpu.wait_dma2 semaphore(%arg12 : memref<!tpu.dma_semaphore, #tpu.memory_space<semaphore_mem>>) src(%dma_wait3A_113 : memref<313x64xf32, #tpu.memory_space<hbm>>) dst(%arg10 : memref<313x64xf32, #tpu.memory_space<vmem>>)
    %scan3A = arith.constant 0 : i32
    %scan3A_114 = arith.constant 0 : i32
    %scan3A_115 = arith.constant 313 : i32
    %scan3A_116 = arith.addi %scan3A_114, %scan3A_115 : i32
    %scan3A_117 = arith.constant 1 : i32
    scf.for %scan3A_119 = %scan3A_114 to %scan3A_116 step %scan3A_117  : i32 {
      %get3A = arith.index_cast %scan3A_119 : i32 to index
      %get3A_120 = arith.constant 0 : index
      %get3A_121 = tpu.vector_load %arg8[%get3A, %get3A_120] {strides = array<i32>} : memref<313x16xf32, #tpu.memory_space<vmem>>, vector<1x16xf32>,
      %get3A_122 = vector.shape_cast %get3A_121 : vector<1x16xf32> to vector<16xf32>
      %get3A_123 = arith.index_cast %scan3A_119 : i32 to index
      %get3A_124 = arith.constant 0 : index
      %get3A_125 = tpu.vector_load %arg9[%get3A_123, %get3A_124] {strides = array<i32>} : memref<313x16xf32, #tpu.memory_space<vmem>>, vector<1x16xf32>,
      %get3A_126 = vector.shape_cast %get3A_125 : vector<1x16xf32> to vector<16xf32>
      %add3A_127 = arith.addf %get3A_122, %get3A_126 : vector<16xf32>
      %max3A = arith.constant 1.000000e+00 : f32
      %max3A_128 = vector.broadcast %max3A : f32 to vector<16xf32>
      %max3A_129 = arith.maximumf %add3A_127, %max3A_128 : vector<16xf32>
      %div3A = arith.constant 1.000000e+00 : f32
      %div3A_130 = vector.broadcast %div3A : f32 to vector<16xf32>
      %div3A_131 = arith.divf %div3A_130, %max3A_129 : vector<16xf32>
      %get3A_132 = arith.index_cast %scan3A_119 : i32 to index
      %get3A_133 = arith.constant 0 : index
      %get3A_134 = tpu.vector_load %arg6[%get3A_132, %get3A_133] {strides = array<i32>} : memref<313x64xf32, #tpu.memory_space<vmem>>, vector<1x16xf32>,
      %get3A_135 = vector.shape_cast %get3A_134 : vector<1x16xf32> to vector<16xf32>
      %get3A_136 = arith.index_cast %scan3A_119 : i32 to index
      %get3A_137 = arith.constant 0 : index
      %get3A_138 = tpu.vector_load %arg7[%get3A_136, %get3A_137] {strides = array<i32>} : memref<313x64xf32, #tpu.memory_space<vmem>>, vector<1x16xf32>,
      %get3A_139 = vector.shape_cast %get3A_138 : vector<1x16xf32> to vector<16xf32>
      %add3A_140 = arith.addf %get3A_135, %get3A_139 : vector<16xf32>
      %mul3A_141 = arith.mulf %add3A_140, %div3A_131 : vector<16xf32>
      %get3A_142 = arith.index_cast %scan3A_119 : i32 to index
      %get3A_143 = arith.constant 0 : index
      %get3A_144 = tpu.vector_load %arg10[%get3A_142, %get3A_143] {strides = array<i32>} : memref<313x64xf32, #tpu.memory_space<vmem>>, vector<1x16xf32>,
      %get3A_145 = vector.shape_cast %get3A_144 : vector<1x16xf32> to vector<16xf32>
      %add3A_146 = arith.addf %mul3A_141, %get3A_145 : vector<16xf32>
      %swap3A = arith.index_cast %scan3A_119 : i32 to index
      %swap3A_147 = arith.constant 0 : index
      %swap3A_148 = tpu.vector_load %arg11[%swap3A, %swap3A_147] {strides = array<i32>} : memref<313x64xf32, #tpu.memory_space<vmem>>, vector<1x16xf32>,
      %swap3A_149 = vector.shape_cast %swap3A_148 : vector<1x16xf32> to vector<16xf32>
      %swap3A_150 = vector.shape_cast %add3A_146 : vector<16xf32> to vector<1x16xf32>
      tpu.vector_store %arg11[%swap3A, %swap3A_147], %swap3A_150 {strides = array<i32>} : memref<313x64xf32, #tpu.memory_space<vmem>>, vector<1x16xf32>,
      %get3A_151 = arith.index_cast %scan3A_119 : i32 to index
      %get3A_152 = arith.constant 16 : index
      %get3A_153 = tpu.vector_load %arg6[%get3A_151, %get3A_152] {strides = array<i32>} : memref<313x64xf32, #tpu.memory_space<vmem>>, vector<1x16xf32>,
      %get3A_154 = vector.shape_cast %get3A_153 : vector<1x16xf32> to vector<16xf32>
      %get3A_155 = arith.index_cast %scan3A_119 : i32 to index
      %get3A_156 = arith.constant 16 : index
      %get3A_157 = tpu.vector_load %arg7[%get3A_155, %get3A_156] {strides = array<i32>} : memref<313x64xf32, #tpu.memory_space<vmem>>, vector<1x16xf32>,
      %get3A_158 = vector.shape_cast %get3A_157 : vector<1x16xf32> to vector<16xf32>
      %add3A_159 = arith.addf %get3A_154, %get3A_158 : vector<16xf32>
      %mul3A_160 = arith.mulf %add3A_159, %div3A_131 : vector<16xf32>
      %get3A_161 = arith.index_cast %scan3A_119 : i32 to index
      %get3A_162 = arith.constant 16 : index
      %get3A_163 = tpu.vector_load %arg10[%get3A_161, %get3A_162] {strides = array<i32>} : memref<313x64xf32, #tpu.memory_space<vmem>>, vector<1x16xf32>,
      %get3A_164 = vector.shape_cast %get3A_163 : vector<1x16xf32> to vector<16xf32>
      %add3A_165 = arith.addf %mul3A_160, %get3A_164 : vector<16xf32>
      %swap3A_166 = arith.index_cast %scan3A_119 : i32 to index
      %swap3A_167 = arith.constant 16 : index
      %swap3A_168 = tpu.vector_load %arg11[%swap3A_166, %swap3A_167] {strides = array<i32>} : memref<313x64xf32, #tpu.memory_space<vmem>>, vector<1x16xf32>,
      %swap3A_169 = vector.shape_cast %swap3A_168 : vector<1x16xf32> to vector<16xf32>
      %swap3A_170 = vector.shape_cast %add3A_165 : vector<16xf32> to vector<1x16xf32>
      tpu.vector_store %arg11[%swap3A_166, %swap3A_167], %swap3A_170 {strides = array<i32>} : memref<313x64xf32, #tpu.memory_space<vmem>>, vector<1x16xf32>,
      %get3A_171 = arith.index_cast %scan3A_119 : i32 to index
      %get3A_172 = arith.constant 32 : index
      %get3A_173 = tpu.vector_load %arg6[%get3A_171, %get3A_172] {strides = array<i32>} : memref<313x64xf32, #tpu.memory_space<vmem>>, vector<1x16xf32>,
      %get3A_174 = vector.shape_cast %get3A_173 : vector<1x16xf32> to vector<16xf32>
      %get3A_175 = arith.index_cast %scan3A_119 : i32 to index
      %get3A_176 = arith.constant 32 : index
      %get3A_177 = tpu.vector_load %arg7[%get3A_175, %get3A_176] {strides = array<i32>} : memref<313x64xf32, #tpu.memory_space<vmem>>, vector<1x16xf32>,
      %get3A_178 = vector.shape_cast %get3A_177 : vector<1x16xf32> to vector<16xf32>
      %add3A_179 = arith.addf %get3A_174, %get3A_178 : vector<16xf32>
      %mul3A_180 = arith.mulf %add3A_179, %div3A_131 : vector<16xf32>
      %get3A_181 = arith.index_cast %scan3A_119 : i32 to index
      %get3A_182 = arith.constant 32 : index
      %get3A_183 = tpu.vector_load %arg10[%get3A_181, %get3A_182] {strides = array<i32>} : memref<313x64xf32, #tpu.memory_space<vmem>>, vector<1x16xf32>,
      %get3A_184 = vector.shape_cast %get3A_183 : vector<1x16xf32> to vector<16xf32>
      %add3A_185 = arith.addf %mul3A_180, %get3A_184 : vector<16xf32>
      %swap3A_186 = arith.index_cast %scan3A_119 : i32 to index
      %swap3A_187 = arith.constant 32 : index
      %swap3A_188 = tpu.vector_load %arg11[%swap3A_186, %swap3A_187] {strides = array<i32>} : memref<313x64xf32, #tpu.memory_space<vmem>>, vector<1x16xf32>,
      %swap3A_189 = vector.shape_cast %swap3A_188 : vector<1x16xf32> to vector<16xf32>
      %swap3A_190 = vector.shape_cast %add3A_185 : vector<16xf32> to vector<1x16xf32>
      tpu.vector_store %arg11[%swap3A_186, %swap3A_187], %swap3A_190 {strides = array<i32>} : memref<313x64xf32, #tpu.memory_space<vmem>>, vector<1x16xf32>,
      %get3A_191 = arith.index_cast %scan3A_119 : i32 to index
      %get3A_192 = arith.constant 48 : index
      %get3A_193 = tpu.vector_load %arg6[%get3A_191, %get3A_192] {strides = array<i32>} : memref<313x64xf32, #tpu.memory_space<vmem>>, vector<1x16xf32>,
      %get3A_194 = vector.shape_cast %get3A_193 : vector<1x16xf32> to vector<16xf32>
      %get3A_195 = arith.index_cast %scan3A_119 : i32 to index
      %get3A_196 = arith.constant 48 : index
      %get3A_197 = tpu.vector_load %arg7[%get3A_195, %get3A_196] {strides = array<i32>} : memref<313x64xf32, #tpu.memory_space<vmem>>, vector<1x16xf32>,
      %get3A_198 = vector.shape_cast %get3A_197 : vector<1x16xf32> to vector<16xf32>
      %add3A_199 = arith.addf %get3A_194, %get3A_198 : vector<16xf32>
      %mul3A_200 = arith.mulf %add3A_199, %div3A_131 : vector<16xf32>
      %get3A_201 = arith.index_cast %scan3A_119 : i32 to index
      %get3A_202 = arith.constant 48 : index
      %get3A_203 = tpu.vector_load %arg10[%get3A_201, %get3A_202] {strides = array<i32>} : memref<313x64xf32, #tpu.memory_space<vmem>>, vector<1x16xf32>,
      %get3A_204 = vector.shape_cast %get3A_203 : vector<1x16xf32> to vector<16xf32>
      %add3A_205 = arith.addf %mul3A_200, %get3A_204 : vector<16xf32>
      %swap3A_206 = arith.index_cast %scan3A_119 : i32 to index
      %swap3A_207 = arith.constant 48 : index
      %swap3A_208 = tpu.vector_load %arg11[%swap3A_206, %swap3A_207] {strides = array<i32>} : memref<313x64xf32, #tpu.memory_space<vmem>>, vector<1x16xf32>,
      %swap3A_209 = vector.shape_cast %swap3A_208 : vector<1x16xf32> to vector<16xf32>
      %swap3A_210 = vector.shape_cast %add3A_205 : vector<16xf32> to vector<1x16xf32>
      tpu.vector_store %arg11[%swap3A_206, %swap3A_207], %swap3A_210 {strides = array<i32>} : memref<313x64xf32, #tpu.memory_space<vmem>>, vector<1x16xf32>,
    }
    %scan3A_118 = arith.constant 313 : i32
    "tpu.region"() ({
      %run_scoped3A = tpu.sem_alloc : memref<!tpu.dma_semaphore, #tpu.memory_space<semaphore_mem>>
      %dma_start3A_119 = arith.constant 0 : i32
      %dma_start3A_120 = tpu.memref_slice %arg5[%min3A_3, %dma_start3A_119] : memref<10000x64xf32, #tpu.memory_space<hbm>> -> memref<313x64xf32, #tpu.memory_space<hbm>>
      %dma_start3A_121 = arith.constant 0 : i32
      %dma_start3A_122 = tpu.memref_slice %arg5[%min3A_3, %dma_start3A_121] : memref<10000x64xf32, #tpu.memory_space<hbm>> -> memref<313x64xf32, #tpu.memory_space<hbm>>
      tpu.enqueue_dma source(%arg11 : memref<313x64xf32, #tpu.memory_space<vmem>>) target(%dma_start3A_122 : memref<313x64xf32, #tpu.memory_space<hbm>>) target_semaphore(%run_scoped3A : memref<!tpu.dma_semaphore, #tpu.memory_space<semaphore_mem>>)
      %dma_wait3A_123 = arith.constant 0 : i32
      %dma_wait3A_124 = tpu.memref_slice %arg5[%min3A_3, %dma_wait3A_123] : memref<10000x64xf32, #tpu.memory_space<hbm>> -> memref<313x64xf32, #tpu.memory_space<hbm>>
      %dma_wait3A_125 = arith.constant 0 : i32
      %dma_wait3A_126 = tpu.memref_slice %arg5[%min3A_3, %dma_wait3A_125] : memref<10000x64xf32, #tpu.memory_space<hbm>> -> memref<313x64xf32, #tpu.memory_space<hbm>>
      tpu.wait_dma2 semaphore(%run_scoped3A : memref<!tpu.dma_semaphore, #tpu.memory_space<semaphore_mem>>) src(%arg11 : memref<313x64xf32, #tpu.memory_space<vmem>>) dst(%dma_wait3A_126 : memref<313x64xf32, #tpu.memory_space<hbm>>)
      tpu.yield
    }) : () -> ()
    return
  }
}

module attributes {stable_mosaic.version = 14 : i64} {
  func.func @_mm2_body(%arg0: i32, %arg1: memref<1000x128xf32, #tpu.memory_space<vmem>>, %arg2: memref<64x128xf32, #tpu.memory_space<vmem>>, %arg3: memref<64x128xf32, #tpu.memory_space<vmem>>, %arg4: memref<1x64xf32, #tpu.memory_space<vmem>>, %arg5: memref<1000x64xf32, #tpu.memory_space<vmem>>, %arg6: memref<1000x64xf32, #tpu.memory_space<vmem>>) attributes {dimension_semantics = [#tpu.dimension_semantics<arbitrary>], iteration_bounds = array<i64: 10>, scalar_prefetch = 0 : i64, scratch_operands = 0 : i64, tpu.core_type = #tpu.core_type<tc>, window_params = [{transform_indices = @transform_0, window_bounds = array<i64: 1000, 128>}, {pipeline_mode = #tpu.pipeline_mode<synchronous>, transform_indices = @transform_1, window_bounds = array<i64: 64, 128>}, {pipeline_mode = #tpu.pipeline_mode<synchronous>, transform_indices = @transform_2, window_bounds = array<i64: 64, 128>}, {pipeline_mode = #tpu.pipeline_mode<synchronous>, transform_indices = @transform_3, window_bounds = array<i64: 1, 64>}, {transform_indices = @transform_4, window_bounds = array<i64: 1000, 64>}, {transform_indices = @transform_5, window_bounds = array<i64: 1000, 64>}]} {
    %get3A = arith.constant 0 : index
    %get3A_0 = arith.constant 0 : index
    %get3A_1 = vector.load %arg1[%get3A, %get3A_0] : memref<1000x128xf32, #tpu.memory_space<vmem>>, vector<1000x128xf32>
    %get3A_2 = arith.constant 0 : index
    %get3A_3 = arith.constant 0 : index
    %get3A_4 = vector.load %arg2[%get3A_2, %get3A_3] : memref<64x128xf32, #tpu.memory_space<vmem>>, vector<64x128xf32>
    %dot_general3A = arith.constant dense<0.000000e+00> : vector<1000x64xf32>
    %dot_general3A_5 = tpu.matmul %get3A_1, %get3A_4, %dot_general3A {dimension_numbers = #tpu.dot_dimension_numbers<[1], [1], [0], [0], [0, 0, 1, 0], [], []>, transpose_lhs_hint = false} : vector<1000x128xf32>, vector<64x128xf32>, vector<1000x64xf32> -> vector<1000x64xf32>
    %swap3A = arith.constant 0 : index
    %swap3A_6 = arith.constant 0 : index
    %swap3A_7 = vector.load %arg5[%swap3A, %swap3A_6] : memref<1000x64xf32, #tpu.memory_space<vmem>>, vector<1000x64xf32>
    tpu.vector_store %arg5[%swap3A, %swap3A_6], %dot_general3A_5 {strides = array<i32>} : memref<1000x64xf32, #tpu.memory_space<vmem>>, vector<1000x64xf32>,
    %get3A_8 = arith.constant 0 : index
    %get3A_9 = arith.constant 0 : index
    %get3A_10 = vector.load %arg3[%get3A_8, %get3A_9] : memref<64x128xf32, #tpu.memory_space<vmem>>, vector<64x128xf32>
    %dot_general3A_11 = arith.constant dense<0.000000e+00> : vector<1000x64xf32>
    %dot_general3A_12 = tpu.matmul %get3A_1, %get3A_10, %dot_general3A_11 {dimension_numbers = #tpu.dot_dimension_numbers<[1], [1], [0], [0], [0, 0, 1, 0], [], []>, transpose_lhs_hint = false} : vector<1000x128xf32>, vector<64x128xf32>, vector<1000x64xf32> -> vector<1000x64xf32>
    %get3A_13 = arith.constant 0 : index
    %get3A_14 = arith.constant 0 : index
    %get3A_15 = vector.load %arg4[%get3A_13, %get3A_14] : memref<1x64xf32, #tpu.memory_space<vmem>>, vector<1x64xf32>
    %add3A = vector.broadcast %get3A_15 : vector<1x64xf32> to vector<1000x64xf32>
    %add3A_16 = arith.addf %dot_general3A_12, %add3A : vector<1000x64xf32>
    %swap3A_17 = arith.constant 0 : index
    %swap3A_18 = arith.constant 0 : index
    %swap3A_19 = vector.load %arg6[%swap3A_17, %swap3A_18] : memref<1000x64xf32, #tpu.memory_space<vmem>>, vector<1000x64xf32>
    tpu.vector_store %arg6[%swap3A_17, %swap3A_18], %add3A_16 {strides = array<i32>} : memref<1000x64xf32, #tpu.memory_space<vmem>>, vector<1000x64xf32>,
    return
  }
  func.func @transform_0(%arg0: i32) -> (i32, i32) {
    %c0_i32 = arith.constant 0 : i32
    %c0_i32_0 = arith.constant 0 : i32
    return %arg0, %c0_i32 : i32, i32
  }
  func.func @transform_1(%arg0: i32) -> (i32, i32) {
    %c0_i32 = arith.constant 0 : i32
    %c0_i32_0 = arith.constant 0 : i32
    %c0_i32_1 = arith.constant 0 : i32
    return %c0_i32, %c0_i32_0 : i32, i32
  }
  func.func @transform_2(%arg0: i32) -> (i32, i32) {
    %c0_i32 = arith.constant 0 : i32
    %c0_i32_0 = arith.constant 0 : i32
    %c0_i32_1 = arith.constant 0 : i32
    return %c0_i32, %c0_i32_0 : i32, i32
  }
  func.func @transform_3(%arg0: i32) -> (i32, i32) {
    %c0_i32 = arith.constant 0 : i32
    %c0_i32_0 = arith.constant 0 : i32
    %c0_i32_1 = arith.constant 0 : i32
    return %c0_i32, %c0_i32_0 : i32, i32
  }
  func.func @transform_4(%arg0: i32) -> (i32, i32) {
    %c0_i32 = arith.constant 0 : i32
    %c0_i32_0 = arith.constant 0 : i32
    return %arg0, %c0_i32 : i32, i32
  }
  func.func @transform_5(%arg0: i32) -> (i32, i32) {
    %c0_i32 = arith.constant 0 : i32
    %c0_i32_0 = arith.constant 0 : i32
    return %arg0, %c0_i32 : i32, i32
  }
}

</mosaic_0001>

<sc_bundles>
// kernel: kernel.5.cloned.1.call-start
scs
__scs_entry_jumppad:
0x0: {  	(pc) =	sbr.rel $0x88, $3  }
0x1: {  	(tag) =	ssettag $0x0;
	lr =	simm.s32 $0x1  }
0x2: {  	[smem:$0x3F9C] =	sst lr;
	_ =	strace $0xD0000000  }
0x3: {  	_ = 	snop  }
0x4: {  	_ = 	snop  }
0x5: {  	_ = 	snop  }
0x6: {  	_ = 	snop  }
0x7: {  	_ = 	snop  }
__scs_overlays_trampoline_lowered:
0x8: {  	[smem:$0x3FAB] =	sst s0  }
0x9: {  	[smem:$0x3FAC] =	sst s1  }
0xa: {  	[smem:$0x3FAD] =	sst s2  }
0xb: {  	[smem:$0x3FAE] =	sst s3  }
0xc: {  	[smem:$0x3FAF] =	sst s4  }
0xd: {  	[smem:$0x3FB0] =	sst s5  }
0xe: {  	[smem:$0x3FB1] =	sst s6  }
0xf: {  	[smem:$0x3FB2] =	sst s7  }
0x10: {  	[smem:$0x3FB3] =	sst s8  }
0x11: {  	[smem:$0x3FB4] =	sst s9;
	s0 =	simm.s32 @!p0 $0x0  }
0x12: {  	s1 =	sld [smem:$0x3F9A];
	s0 =	simm.s32 @p0 $0x1  }
0x13: {  	[smem:$0x3FB5] =	sst s0;
	s0 =	simm.s32 @!p1 $0x0  }
0x14: {  	s2 =	sld [smem:$0x3F99];
	s0 =	simm.s32 @p1 $0x1  }
0x15: {  	[smem:$0x3FB6] =	sst s0;
	s0 =	simm.s32 @!p2 $0x0  }
0x16: {  	s3 =	sld [smem:$0x3FDB];
	s0 =	simm.s32 @p2 $0x1  }
0x17: {  	s4 =	simm.s32 $0x1BF5;
	[smem:$0x3FB8] =	sst s0  }
0x18: {  	s0 =	sld [smem:$0x3F9B];
	_ =	swait.ge [sflag:s4], $0x0  }
0x19: {  	s7 =	sld [smem:$0x3F9C]  }
0x1a: {  	s8 =	sadd.s32 $0xFFFFE003, lr  }
0x1b: {  	s9 =	sadd.s32 $0xFFFFFEF7, lr;
	s5 =	simm.s32 $0xFFFFFFFF;
	p2 =	slt.u32 s8, $0xFFFFF086  }
0x1c: {  	p1 =	slt.u32 s9, $0xF7A;
	s5 =	simm.s32 @!p2 $0x0  }
0x1d: {  	s5 =	simm.s32 @p1 $0x1;
	p0 =	seq.s32 s7, s2  }
0x1e: {  	s7 =	smul.u32 @!p0 $0xF7A, s2;
	p2 =	seq.s32 @!p0 s5, $0x0  }
0x1f: {  	s9 =	smul.u32 $0xF7A, s1;
	s8 =	simm.s32 @!p0 $0x1BF5;
	p2 =	por !p2, p0  }
0x20: {  	[sflag:s8] =	ssyncset.s32 @!p0 $0xFFFFF086;
	s6 =	sadd.s32 @!p0 s3, s7;
	s7 =	simm.s32 @!p0 $0x108  }
0x21: {  	s3 =	sadd.s32 s3, s9;
	s6 =	sadd.s32 @!p0 $0x88, s6;
	s7 =	simm.s32 @p2 $0x1082  }
0x22: {  	[simem:s7], [sflag:s8] =	dma.local @!p0 [hbm:s6], $0xF7A  }
0x23: {  	s9 =	sor.u32 $0xD0000000, s2;
	s6 =	simm.s32 $0x108;
	_ =	swait.ge @!p0 [sflag:s8], $0x0  }
0x24: {  	s3 =	sadd.s32 $0x88, s3;
	s6 =	simm.s32 @!p1 $0x1082;
	[sflag:s4] =	ssyncset.s32 $0xFFFFF086  }
0x25: {  	[simem:s6], [sflag:s4] =	dma.local [hbm:s3], $0xF7A  }
0x26: {  	[smem:$0x3F9C] =	sst s1;
	(tag) =	ssettag s2;
	_ =	strace s9  }
0x27: {  	s1 =	sld [smem:$0x3FAC]  }
0x28: {  	s2 =	sld [smem:$0x3FAD]  }
0x29: {  	s4 =	sld [smem:$0x3FAF]  }
0x2a: {  	p0 =	seq.s32 s5, $0x0;
	s5 =	sld [smem:$0x3FB0]  }
0x2b: {  	s6 =	sld [smem:$0x3FB1]  }
0x2c: {  	s7 =	sld [smem:$0x3FB2]  }
0x2d: {  	s3 =	simm.s32 $0x108;
	s8 =	sld [smem:$0x3FB3]  }
0x2e: {  	s3 =	simm.s32 @!p0 $0x1082;
	s9 =	sld [smem:$0x3FB4]  }
0x2f: {  	lr =	sadd.s32 s0, s3;
	s0 =	sld [smem:$0x3FAB]  }
0x30: {  	s3 =	sld [smem:$0x3FAE]  }
0x31: {  	[smem:$0x3FB7] =	sst s10  }
0x32: {  	s10 =	sld [smem:$0x3FB5];
	_ =	sdelay $0x3  }
0x33: {  	p0 =	seq.s32 s10, $0x1;
	s10 =	sld [smem:$0x3FB7];
	_ =	sdelay $0x3  }
0x34: {  	[smem:$0x3FB7] =	sst s10  }
0x35: {  	s10 =	sld [smem:$0x3FB6];
	_ =	sdelay $0x3  }
0x36: {  	p1 =	seq.s32 s10, $0x1;
	s10 =	sld [smem:$0x3FB7];
	_ =	sdelay $0x3  }
0x37: {  	[smem:$0x3FB7] =	sst s10  }
0x38: {  	s10 =	sld [smem:$0x3FB8]  }
0x39: {  	_ = 	snop;
	(pc) =	sbr.ind lr, $3  }
0x3a: {  	_ = 	snop  }
0x3b: {  	_ = 	snop  }
0x3c: {  	p2 =	seq.s32 s10, $0x1;
	s10 =	sld [smem:$0x3FB7]  }
0x3d: {  	_ =	shalt  }
0x3e: {  	_ =	shalt  }
0x3f: {  	_ =	shalt  }
0x40: {  	_ =	shalt  }
0x41: {  	_ =	shalt  }
0x42: {  	_ =	shalt  }
0x43: {  	_ =	shalt  }
0x44: {  	_ =	shalt  }
0x45: {  	_ =	shalt  }
0x46: {  	_ =	shalt  }
0x47: {  	_ =	shalt  }
0x48: {  	_ =	shalt  }
0x49: {  	_ =	shalt  }
0x4a: {  	_ =	shalt  }
0x4b: {  	_ =	shalt  }
0x4c: {  	_ =	shalt  }
0x4d: {  	_ =	shalt  }
0x4e: {  	_ =	shalt  }
0x4f: {  	_ =	shalt  }
0x50: {  	_ =	shalt  }
0x51: {  	_ =	shalt  }
0x52: {  	_ =	shalt  }
0x53: {  	_ =	shalt  }
0x54: {  	_ =	shalt  }
0x55: {  	_ =	shalt  }
0x56: {  	_ =	shalt  }
0x57: {  	_ =	shalt  }
0x58: {  	_ =	shalt  }
0x59: {  	_ =	shalt  }
0x5a: {  	_ =	shalt  }
0x5b: {  	_ =	shalt  }
0x5c: {  	_ =	shalt  }
0x5d: {  	_ =	shalt  }
0x5e: {  	_ =	shalt  }
0x5f: {  	_ =	shalt  }
0x60: {  	_ =	shalt  }
0x61: {  	_ =	shalt  }
0x62: {  	_ =	shalt  }
0x63: {  	_ =	shalt  }
0x64: {  	_ =	shalt  }
0x65: {  	_ =	shalt  }
0x66: {  	_ =	shalt  }
0x67: {  	_ =	shalt  }
0x68: {  	_ =	shalt  }
0x69: {  	_ =	shalt  }
0x6a: {  	_ =	shalt  }
0x6b: {  	_ =	shalt  }
0x6c: {  	_ =	shalt  }
0x6d: {  	_ =	shalt  }
0x6e: {  	_ =	shalt  }
0x6f: {  	_ =	shalt  }
0x70: {  	_ =	shalt  }
0x71: {  	_ =	shalt  }
0x72: {  	_ =	shalt  }
0x73: {  	_ =	shalt  }
0x74: {  	_ =	shalt  }
0x75: {  	_ =	shalt  }
0x76: {  	_ =	shalt  }
0x77: {  	_ =	shalt  }
0x78: {  	_ =	shalt  }
0x79: {  	_ =	shalt  }
0x7a: {  	_ =	shalt  }
0x7b: {  	_ =	shalt  }
0x7c: {  	_ =	shalt  }
0x7d: {  	_ =	shalt  }
0x7e: {  	_ =	shalt  }
0x7f: {  	_ =	shalt  }
0x80: {  	_ =	shalt  }
0x81: {  	_ =	shalt  }
0x82: {  	_ =	shalt  }
0x83: {  	_ =	shalt  }
0x84: {  	_ =	shalt  }
0x85: {  	_ =	shalt  }
0x86: {  	_ =	shalt  }
0x87: {  	_ =	shalt  }
.Lfunc_end0:
.L_simem_size_0:
called_computation_lowered:
.L_overlay_start_0:
0x88: {  	s2 =	sld [smem:$0x3FD9]  }
0x89: {  	s3 =	sld [smem:$0x3FFE];
	_ =	sdelay $0x1  }
0x8a: {  	s1 =	srdreg.scid  }
0x8b: {  	s0 =	sand.u32 $0x1, s1  }
0x8c: {  	s17 =	sshll.u32 s0, $0xA;
	s2 =	sadd.s32 s3, s2  }
0x8d: {  	s2 =	sadd.s32 s2, s17  }
0x8e: {  	[smem:$0x3FC3] =	sst s2  }
0x8f: {  	_ = 	snop  }
0x90: {  	s2 =	sld [smem:$0x3FD0];
	(tm) =	ssettm $0x1  }
0x91: {  	s18 =	sld [smem:$0x3FFB];
	_ =	sdelay $0x3  }
0x92: {  	_ =	strace s18  }
0x93: {  	s3 =	sld [smem:$0x3FFC];
	_ =	sdelay $0x3  }
0x94: {  	_ =	strace s3  }
0x95: {  	s3 =	sld [smem:$0x3FFD];
	_ =	sdelay $0x3  }
0x96: {  	_ =	strace s3  }
0x97: {  	_ =	strace $0x8FFFFFFF  }
0x98: {  	s19 =	sld [smem:$0x3FDB];
	_ =	sdelay $0x1  }
0x99: {  	s4 =	simm.s32 $_scs_section_size  }
0x9a: {  	s5 =	simm.s32 $_size__tile_overlayer_lowered;
	s6 =	simm.s32 $_tile_overlayer_lowered  }
0x9b: {  	s22 =	simm.s32 $0x1BFF;
	s21 =	sshll.u32 s6, $0x1;
	s3 =	sadd.s32 s4, s19  }
0x9c: {  	s7 =	simm.s32 $0x0;
	s20 =	sshll.u32 s5, $0x1;
	s5 =	sadd.s32 s21, s3  }
0x9d: {  	[timem:s7], [sflag:s22] =	dma.local [hbm:s5], s20  }
0x9e: {  	_ =	swait.ge [sflag:s22], s20  }
0x9f: {  	s4 =	ssub.s32 $0x0, s20;
	[sflag:s22] =	ssyncset.done $0x0  }
0xa0: {  	[sflag:s22] =	ssyncadd.s32 s4;
	_ =	sdelay $0x1  }
0xa1: {  	s23 =	simm.s32 $0x1B8B  }
0xa2: {  	_ =	swait.ge [sflag:s23], $0x1  }
0xa3: {  	[sflag:s23] =	ssyncset.done $0x0  }
0xa4: {  	s25 =	simm.s32 $0x1B8E;
	s24 =	sld [smem:$0x3FFE];
	[sflag:s23] =	ssyncadd.s32 $0xFFFFFFFF  }
0xa5: {  	s26 =	simm.s32 $execute0_lowered;
	[smem:$0x3FD2] =	sst s25  }
0xa6: {  	s5 =	sshll.u32 s26, $0x1;
	_ =	strace $0x80000046;
	[dreg:$0x1] =	wrdreg $0xFFFFFFFF  }
0xa7: {  	s28 =	simm.s32 $_size_execute0_lowered;
	s3 =	sadd.s32 s3, s5;
	[dreg:$0x0] =	wrdreg $0x0  }
0xa8: {  	s5 =	sshll.u32 s28, $0x1;
	[dreg:$0x2] =	wrdreg s3  }
0xa9: {  	[dreg:$0x3] =	wrdreg s5  }
0xaa: {  	[dreg:$0x4] =	wrdreg $0xC0  }
0xab: {  	_ =	task [dreg:s7], $0x5FFFF  }
0xac: {  	[dreg:$0x1] =	wrdreg $0xFFFFFFFF  }
0xad: {  	[dreg:$0x0] =	wrdreg $0x60  }
0xae: {  	[dreg:$0x2] =	wrdreg s2  }
0xaf: {  	[dreg:$0x3] =	wrdreg s24  }
0xb0: {  	[dreg:$0x4] =	wrdreg $0x0  }
0xb1: {  	[dreg:$0x5] =	wrdreg $0x9E000  }
0xb2: {  	[dreg:$0x6] =	wrdreg $0x9  }
0xb3: {  	_ =	task.clear_ibuf [dreg:s7], $0x7FFFF;
	_ =	strace $0x90000046  }
0xb4: {  	s29 =	simm.s32 $0x9;
	_ =	strace $0x80000048  }
0xb5: {  	_ =	swait.ge [sflag:s29], $0x1  }
0xb6: {  	[sflag:s29] =	ssyncadd.s32 $0xFFFFFFFF  }
0xb7: {  	_ =	strace $0x90000048  }
0xb8: {  	_ =	sfence  }
0xb9: {  	s30 =	sld [smem:$0x0];
	_ =	sdelay $0x2  }
0xba: {  	s31 =	sshll.u32 s1, $0xD;
	s1 =	sshrl.u32 s1, $0x2  }
0xbb: {  	s3 =	sand.u32 $0x4000, s31;
	s1 =	sadd.s32 s1, s30  }
0xbc: {  	s0 =	sor.u32 s3, s0;
	s1 =	sshll.u32 s1, $0x11  }
0xbd: {  	s0 =	sor.u32 s1, s0  }
0xbe: {  	s0 =	sadd.s32 $0x8F2B, s0  }
0xbf: {  	[sflag:s0] =	ssyncadd.remote.s32 $0x1  }
0xc0: {  	_ =	sfence.sel $0xFFFF  }
0xc1: {  	[dreg:$0x0] =	wrdreg $0xFFFFFFFF;
	(pc) =	sbr.abs _section_cstart, $3  }
0xc2: {  	[dreg:$0x1] =	wrdreg $0xFFFFFFFF  }
0xc3: {  	_ =	task.clear_ibuf [dreg:s7], $0x2FFFF;
	_ =	strace $0x9FFFFFFF  }
0xc4: {  	(tm) =	ssettm $0x7FFFFFFF  }
0xc5: {  	_ =	shalt  }
tec
execute0_lowered:
.L_overlay_start_1:
0x0: {  	(tag) =	ssettag $0x1  }
0x1: {  	s0 =	rddreg [dreg:$0x0]  }
0x2: {  	s1 =	srdreg.scid;
	s2 =	rddreg [dreg:$0x1]  }
0x3: {  	s3 =	rddreg [dreg:$0x2];
	s9 =	stileid.u32  }
0x4: {  	s4 =	rddreg [dreg:$0x3];
	s6 =	simm.s32 $0x0;
	s15 =	smul.u32 $0x278, s9  }
0x5: {  	s28 =	simm.s32 $0x80;
	s29 =	simm.s32 $0x2;
	s18 =	smul.u32 $0x9E00, s9  }
0x6: {  	s30 =	simm.s32 $0x3;
	s1 =	sand.u32 $0x1, s1;
	s11 =	smul.u32 $0x2780, s9  }
0x7: {  	s31 =	simm.s32 $0x10;
	[smem:$0x7FF] =	sst s6;
	s10 =	smul.u32 $0x13C00, s1  }
0x8: {  	s5 =	sshll.u32 s1, $0x4;
	s7 =	smul.u32 $0x4F00, s1;
	s1 =	ssub.s32 $0x2, s1  }
0x9: {  	_ =	strace $0x80000047;
	s5 =	sor.u32 s9, s5;
	s8 =	sshrl.u32 s1, $0x1  }
0xa: {  	s19 =	sadd.s32 $0x80, s15;
	s9 =	sadd.s32 s11, s4;
	s13 =	sadd.s32 $0x100, s15  }
0xb: {  	s16 =	sadd.s32 $0x180, s15;
	s22 =	sadd.s32 $0x200, s15;
	s26 =	sshrl.u32 s18, $0x3  }
0xc: {  	s5 =	smul.u32 $0x4E2, s5;
	s6 =	sadd.s32 s10, s2;
	s1 =	ssub.s32 s1, s8  }
0xd: {  	s8 =	sadd.s32 s18, s3;
	s10 =	sshll.u32 s19, $0x6;
	s20 =	sshll.u32 s13, $0x6  }
0xe: {  	s21 =	sshll.u32 s13, $0x4;
	s14 =	sshll.u32 s16, $0x6;
	s23 =	sshll.u32 s16, $0x4  }
0xf: {  	s24 =	sshll.u32 s22, $0x6;
	s10 =	sadd.s32 s10, s3;
	s12 =	sadd.s32 s20, s3  }
0x10: {  	s13 =	sadd.s32 s21, s4;
	s14 =	sadd.s32 s14, s3;
	s15 =	sadd.s32 s23, s4  }
0x11: {  	s16 =	sadd.s32 s24, s3;
	s25 =	sadd.s32 $0x15000, s6;
	s18 =	smax.u32 s1, $0x1  }
0x12: {  	s21 =	simm.s32 $0x113A0;
	s23 =	simm.s32 $0x4;
	s1 =	simm.s32 $0x1DBA0  }
0x13: {  	s20 =	simm.s32 $0x11390;
	s5 =	sadd.s32 s5, s2;
	s2 =	sadd.s32 s7, s2  }
0x14: {  	[dreg:$0x7] =	wrdreg s10;
	s7 =	sshrl.u32 s11, $0x3;
	s17 =	sadd.s32 $0x1600, s5  }
0x15: {  	s5 =	sadd.s32 $0xB240, s5;
	s2 =	sadd.s32 $0x3C800, s2;
	[dreg:$0x5] =	wrdreg s17  }
0x16: {  	[dreg:$0x6] =	wrdreg s5;
	s5 =	sshll.u32 s19, $0x4;
	s19 =	simm.s32 $0xC580  }
0x17: {  	s24 =	sadd.s32 s7, s2;
	s2 =	simm.s32 $0x0;
	s5 =	sadd.s32 s5, s4  }
0x18: {  	[dreg:$0x8] =	wrdreg s5;
	s5 =	sshll.u32 s22, $0x4;
	s22 =	sadd.s32 s26, s25  }
0x19: {  	v0 =	vimm.f32 $0.0e+00;
	v1 =	vimm.f32 $1.000000000e+00;
	s25 =	simm.s32 $0x1D3A0;
	s26 =	simm.s32 $0x1;
	s17 =	sadd.s32 s5, s4  }
.LBB2_1:
0x1a: {  	s5 =	simm.s32 $0x0;
	s6 =	rddreg [dreg:$0x5]  }
0x1b: {  	[tilespmem:s19], [sflag:$0x1] =	stream.linear.gather [hbm4b:s6+s5], $0x2710, $0x38;
	[tilespmem:$0x1DFA0] =	vst v63  }
0x1c: {  	s11 =	rddreg [dreg:$0x6];
	s7 =	simm.s32 $0xEC90  }
0x1d: {  	[tilespmem:s7], [sflag:$0x1] =	stream.linear.gather [hbm4b:s11+s5], $0x2710, $0x38;
	[tilespmem:$0x1DFA0] =	vst v63  }
0x1e: {  	s5 =	simm.s32 $0x113C0  }
0x1f: {  	[tilespmem:s5+$0x0] =	vst v0  }
0x20: {  	[tilespmem:s5+$0xFFFFFFE0] =	vst v0  }
0x21: {  	[tilespmem:s5+$0x10] =	vst v0  }
0x22: {  	s6 =	simm.s32 $0x40;
	s7 =	simm.s32 $0x0;
	[tilespmem:s5+$0xFFFFFFF0] =	vst v0  }
.LBB2_2:
0x23: {  	p0 =	sne.s32 s6, $0x1FC0  }
0x24: {  	[tilespmem:s7+$0x1D3A0] =	vst v0;
	s5 =	sadd.s32 $0x40, s5;
	s7 =	smov.u32 s6;
	s6 =	sadd.s32 $0x40, s6  }
.Ltmp0:
0x25: {  	[tilespmem:s5+$0x0] =	vst v0;
	(pc) =	sbr.rel @p0 .LBB2_2-.Ltmp0, $4  }
0x26: {  	_ = 	snop  }
0x27: {  	[tilespmem:s5+$0xFFFFFFE0] =	vst v0  }
0x28: {  	[tilespmem:s5+$0x10] =	vst v0  }
0x29: {  	s7 =	sshra.s32 s7, $0x2;
	[tilespmem:s5+$0xFFFFFFF0] =	vst v0  }
0x2a: {  	[tilespmem:s7+$0x1D3A0] =	vst v0  }
0x2b: {  	[spmem:s8] =	stream.linear.scatter [tilespmem:s21], [sflag:$0x4], $0x2000, $0x38;
	[tilespmem:$0x1DFA0] =	vst v63  }
0x2c: {  	_ =	swait.ge [sflag:s23], $0x2000  }
0x2d: {  	[sflag:s23] =	ssyncset.done $0x0  }
0x2e: {  	[sflag:s23] =	ssyncadd.s32 $0xFFFFE000  }
0x2f: {  	[spmem:s9] =	stream.linear.scatter [tilespmem:s25], [sflag:$0x4], $0x800, $0x38;
	[tilespmem:$0x1DFA0] =	vst v63  }
0x30: {  	_ =	swait.ge [sflag:s23], $0x800  }
0x31: {  	[sflag:s23] =	ssyncset.done $0x0  }
0x32: {  	s5 =	rddreg [dreg:$0x7];
	[sflag:s23] =	ssyncadd.s32 $0xFFFFF800  }
0x33: {  	[spmem:s5] =	stream.linear.scatter [tilespmem:s21], [sflag:$0x4], $0x2000, $0x38;
	[tilespmem:$0x1DFA0] =	vst v63  }
0x34: {  	_ =	swait.ge [sflag:s23], $0x2000  }
0x35: {  	[sflag:s23] =	ssyncset.done $0x0  }
0x36: {  	s11 =	rddreg [dreg:$0x8];
	[sflag:s23] =	ssyncadd.s32 $0xFFFFE000  }
0x37: {  	[spmem:s11] =	stream.linear.scatter [tilespmem:s25], [sflag:$0x4], $0x800, $0x38;
	[tilespmem:$0x1DFA0] =	vst v63  }
0x38: {  	_ =	swait.ge [sflag:s23], $0x800  }
0x39: {  	[sflag:s23] =	ssyncset.done $0x0  }
0x3a: {  	[sflag:s23] =	ssyncadd.s32 $0xFFFFF800  }
0x3b: {  	[spmem:s12] =	stream.linear.scatter [tilespmem:s21], [sflag:$0x4], $0x2000, $0x38;
	[tilespmem:$0x1DFA0] =	vst v63  }
0x3c: {  	_ =	swait.ge [sflag:s23], $0x2000  }
0x3d: {  	[sflag:s23] =	ssyncset.done $0x0  }
0x3e: {  	[sflag:s23] =	ssyncadd.s32 $0xFFFFE000  }
0x3f: {  	[spmem:s13] =	stream.linear.scatter [tilespmem:s25], [sflag:$0x4], $0x800, $0x38;
	[tilespmem:$0x1DFA0] =	vst v63  }
0x40: {  	_ =	swait.ge [sflag:s23], $0x800  }
0x41: {  	[sflag:s23] =	ssyncset.done $0x0  }
0x42: {  	[sflag:s23] =	ssyncadd.s32 $0xFFFFF800  }
0x43: {  	[spmem:s14] =	stream.linear.scatter [tilespmem:s21], [sflag:$0x4], $0x2000, $0x38;
	[tilespmem:$0x1DFA0] =	vst v63  }
0x44: {  	_ =	swait.ge [sflag:s23], $0x2000  }
0x45: {  	[sflag:s23] =	ssyncset.done $0x0  }
0x46: {  	[sflag:s23] =	ssyncadd.s32 $0xFFFFE000  }
0x47: {  	[spmem:s15] =	stream.linear.scatter [tilespmem:s25], [sflag:$0x4], $0x800, $0x38;
	[tilespmem:$0x1DFA0] =	vst v63  }
0x48: {  	_ =	swait.ge [sflag:s23], $0x800  }
0x49: {  	[sflag:s23] =	ssyncset.done $0x0  }
0x4a: {  	[sflag:s23] =	ssyncadd.s32 $0xFFFFF800  }
0x4b: {  	[spmem:s16] =	stream.linear.scatter [tilespmem:s21], [sflag:$0x4], $0x1E00, $0x38;
	[tilespmem:$0x1DFA0] =	vst v63  }
0x4c: {  	_ =	swait.ge [sflag:s23], $0x1E00  }
0x4d: {  	[sflag:s23] =	ssyncset.done $0x0  }
0x4e: {  	[sflag:s23] =	ssyncadd.s32 $0xFFFFE200  }
0x4f: {  	[spmem:s17] =	stream.linear.scatter [tilespmem:s25], [sflag:$0x4], $0x780, $0x38;
	[tilespmem:$0x1DFA0] =	vst v63  }
0x50: {  	_ =	swait.ge [sflag:s23], $0x780  }
0x51: {  	[sflag:s23] =	ssyncset.done $0x0  }
0x52: {  	s6 =	simm.s32 $0x0;
	s5 =	simm.s32 $0x40;
	[sflag:s23] =	ssyncadd.s32 $0xFFFFF880  }
.LBB2_4:
0x53: {  	p0 =	sne.s32 s5, $0x1FC0;
	[tilespmem:s6+$0x1D3A0] =	vst v1;
	s6 =	smov.u32 s5;
	s5 =	sadd.s32 $0x40, s5  }
.Ltmp1:
0x54: {  	(pc) =	sbr.rel @p0 .LBB2_4-.Ltmp1, $2  }
0x55: {  	_ =	sdelay $0x2  }
0x56: {  	s6 =	sshra.s32 s6, $0x2  }
0x57: {  	[tilespmem:s6+$0x1D3A0] =	vst v1  }
0x58: {  	_ =	swait.ge [sflag:s26], $0x2710  }
0x59: {  	[sflag:s26] =	ssyncset.done $0x0  }
0x5a: {  	[sflag:s26] =	ssyncadd.s32 $0xFFFFD8F0  }
0x5b: {  	_ =	swait.ge [sflag:s26], $0x2710  }
0x5c: {  	[sflag:s26] =	ssyncset.done $0x0  }
0x5d: {  	[sflag:s26] =	ssyncadd.s32 $0xFFFFD8F0  }
0x5e: {  	[bflag:$0x0] =	sbarrier.arrive $0xFFFF  }
0x5f: {  	[tilespmem:s21], [sflag:$0x1] =	stream.indirect.gather [hbm4b:s0+s28], $0x40, s19, s28, $0xb8;
	[tilespmem:$0x1DFA0] =	vst v63  }
0x60: {  	s5 =	simm.s32 $0xC600;
	s11 =	simm.s32 $0x133A0;
	s6 =	simm.s32 $0xC680  }
0x61: {  	[tilespmem:s11], [sflag:$0x1] =	stream.indirect.gather [hbm4b:s0+s28], $0x40, s5, s28, $0xb8;
	[tilespmem:$0x1DFA0] =	vst v63  }
0x62: {  	s7 =	simm.s32 $0x153A0;
	s10 =	simm.s32 $0xC700;
	s11 =	simm.s32 $0x173A0  }
0x63: {  	[tilespmem:s7], [sflag:$0x1] =	stream.indirect.gather [hbm4b:s0+s28], $0x40, s6, s28, $0xb8;
	[tilespmem:$0x1DFA0] =	vst v63  }
0x64: {  	s5 =	simm.s32 $0x0;
	s6 =	simm.s32 $0xEC90;
	s7 =	simm.s32 $0xC780  }
0x65: {  	[tilespmem:s11], [sflag:$0x1] =	stream.indirect.gather [hbm4b:s0+s28], $0x40, s10, s28, $0xb8;
	[tilespmem:$0x1DFA0] =	vst v63  }
.LBB2_6:
0x66: {  	_ =	swait.ge [sflag:s26], $0x2000  }
0x67: {  	p0 =	slt.u32 s5, $0x2;
	[sflag:s26] =	ssyncset.done $0x0  }
0x68: {  	s10 =	simm.s32 @!p0 $0x2;
	[sflag:s26] =	ssyncadd.s32 $0xFFFFE000  }
0x69: {  	_ =	swait.ge @!p0 [sflag:s10], $0x2000  }
0x6a: {  	[sflag:s10] =	ssyncset.done @!p0 $0x0  }
0x6b: {  	[sflag:s10] =	ssyncadd.s32 @!p0 $0xFFFFE000;
	s10 =	simm.s32 @!p0 $0x3  }
0x6c: {  	p1 =	sgt.u32 @!p0 s5, $0x49;
	_ =	swait.ge @!p0 [sflag:s10], $0x800  }
0x6d: {  	p1 =	por p0, !p1;
	[sflag:s10] =	ssyncset.done @!p0 $0x0  }
0x6e: {  	[sflag:s10] =	ssyncadd.s32 @!p0 $0xFFFFF800;
	s10 =	sadd.s32 @p1 $0x4, s5  }
0x6f: {  	s11 =	smul.u32 @p1 $0xAB, s10;
	_ =	sdelay $0x1  }
0x70: {  	s11 =	sshrl.u32 @p1 s11, $0xA  }
0x71: {  	s11 =	sand.u32 @p1 $0x3F, s11  }
0x72: {  	s11 =	smul.u32 @p1 $0x6, s11;
	_ =	sdelay $0x1  }
0x73: {  	s10 =	ssub.s32 @p1 s10, s11  }
0x74: {  	s10 =	sand.u32 @p1 $0xF7, s10  }
0x75: {  	s10 =	sshll.u32 @p1 s10, $0xD  }
0x76: {  	s11 =	smul.u32 $0xAB, s5;
	s10 =	sor.u32 @p1 $0x113A0, s10  }
0x77: {  	[tilespmem:s10], [sflag:$0x1] =	stream.indirect.gather @p1 [hbm4b:s0+s28], $0x40, s7, s28, $0xb8;
	[tilespmem:$0x1DFA0] =	vst v63  }
0x78: {  	s10 =	sshrl.u32 s11, $0xA  }
0x79: {  	s10 =	sand.u32 $0x3F, s10  }
0x7a: {  	s10 =	smul.u32 $0x6, s10;
	_ =	sdelay $0x1  }
0x7b: {  	s10 =	ssub.s32 s5, s10  }
0x7c: {  	s5 =	sadd.s32 $0x1, s5;
	s10 =	sand.u32 $0xF7, s10  }
0x7d: {  	p0 =	sne.s32 s5, $0x4E;
	s10 =	sshll.u32 s10, $0xD  }
.Ltmp2:
0x7e: {  	s10 =	sor.u32 $0x113A0, s10;
	(pc) =	sbr.rel @p0 .LBB2_6-.Ltmp2, $4  }
0x7f: {  	[spmem:s3] =	stream.indirect.scatter.add.f32 [tilespmem:s10], [sflag:$0x2], $0x40, s6, s28, $0xb8;
	[tilespmem:$0x1DFA0] =	vst v63  }
0x80: {  	_ = 	snop  }
0x81: {  	[spmem:s4] =	stream.indirect.scatter.add.f32 [tilespmem:s25], [sflag:$0x3], $0x10, s6, s28, $0xb8;
	[tilespmem:$0x1DFA0] =	vst v63  }
0x82: {  	s7 =	sadd.s32 $0x80, s7;
	s6 =	sadd.s32 $0x80, s6  }
0x83: {  	_ =	swait.ge [sflag:s29], $0x2000  }
0x84: {  	[sflag:s29] =	ssyncset.done $0x0  }
0x85: {  	[sflag:s29] =	ssyncadd.s32 $0xFFFFE000  }
0x86: {  	_ =	swait.ge [sflag:s30], $0x800  }
0x87: {  	[sflag:s30] =	ssyncset.done $0x0  }
0x88: {  	[sflag:s30] =	ssyncadd.s32 $0xFFFFF800  }
0x89: {  	_ =	swait.ge [sflag:s29], $0x2000  }
0x8a: {  	[sflag:s29] =	ssyncset.done $0x0  }
0x8b: {  	[sflag:s29] =	ssyncadd.s32 $0xFFFFE000  }
0x8c: {  	_ =	swait.ge [sflag:s30], $0x800  }
0x8d: {  	[sflag:s30] =	ssyncset.done $0x0  }
0x8e: {  	s5 =	simm.s32 $0xEC80;
	[sflag:s30] =	ssyncadd.s32 $0xFFFFF800  }
0x8f: {  	[tilespmem:s1], [sflag:$0x4] =	stream.indirect.gather [hbm4b:s0+s31], $0x40, s5, s31, $0xb8;
	[tilespmem:$0x1DFA0] =	vst v63  }
0x90: {  	_ =	swait.ge [sflag:s23], $0x400  }
0x91: {  	[sflag:s23] =	ssyncset.done $0x0  }
0x92: {  	[sflag:s23] =	ssyncadd.s32 $0xFFFFFC00  }
0x93: {  	[spmem:s3] =	stream.indirect.scatter.add.f32 [tilespmem:s1], [sflag:$0x4], $0x40, s20, s31, $0xb8;
	[tilespmem:$0x1DFA0] =	vst v63  }
0x94: {  	_ =	swait.ge [sflag:s23], $0x400  }
0x95: {  	[sflag:s23] =	ssyncset.done $0x0  }
0x96: {  	[sflag:s23] =	ssyncadd.s32 $0xFFFFFC00  }
0x97: {  	[spmem:s4] =	stream.indirect.scatter.add.f32 [tilespmem:s25], [sflag:$0x4], $0x10, s20, s31, $0xb8;
	[tilespmem:$0x1DFA0] =	vst v63  }
0x98: {  	_ =	swait.ge [sflag:s23], $0x100  }
0x99: {  	s10 =	stileid.u32;
	[sflag:s23] =	ssyncset.done $0x0  }
0x9a: {  	s5 =	sshll.u32 s10, $0x6;
	[sflag:s23] =	ssyncadd.s32 $0xFFFFFF00  }
0x9b: {  	s6 =	sshrl.u32 s8, $0x3;
	s5 =	sor.u32 $0x1C04, s5;
	[bflag:$0x0] =	sbarrier.arrive $0xFFFF  }
0x9c: {  	[hbm:s22], [sflag:s5] =	dma.local [spmem:s6], $0x13C0  }
0x9d: {  	s2 =	sadd.s32 $0x1, s2;
	_ =	swait.ge [sflag:s23], $0x13C0  }
0x9e: {  	p0 =	sne.s32 s2, s18;
	[sflag:s23] =	ssyncset.done $0x0  }
.Ltmp3:
0x9f: {  	s11 =	sshrl.u32 s9, $0x3;
	[sflag:s23] =	ssyncadd.s32 $0xFFFFEC40;
	(pc) =	sbr.rel @p0 .LBB2_1-.Ltmp3, $4  }
0xa0: {  	[hbm:s24], [sflag:s5] =	dma.local [spmem:s11], $0x4F0  }
0xa1: {  	_ =	swait.ge [sflag:s23], $0x4F0  }
0xa2: {  	[sflag:s23] =	ssyncset.done $0x0  }
0xa3: {  	[sflag:s23] =	ssyncadd.s32 $0xFFFFFB10  }
0xa4: {  	_ =	sfence.sel $0x180000  }
0xa5: {  	[bflag:$0x0] =	sbarrier.arrive $0xFFFF  }
0xa6: {  	_ =	strace $0x90000047  }
0xa7: {  	s0 =	stileid.u32;
	[bflag:$0x2] =	sbarrier.arrive $0xFFFF  }
0xa8: {  	p0 =	sne.s32 s0, $0x0;
	s0 =	rddreg [dreg:$0x4]  }
0xa9: {  	s0 =	sadd.s32 @!p0 $0x100000, s0  }
0xaa: {  	[sflag:s0] =	ssyncadd.tile.s32 @!p0 $0x1;
	_ =	shalt  }
.Lfunc_end2:
_tile_overlayer_lowered:
.L_overlay_start_2:
0xab: {  	(tag) =	ssettag $0x2  }
0xac: {  	s0 =	rddreg [dreg:$0x0];
	s2 =	stileid.u32  }
0xad: {  	s1 =	rddreg [dreg:$0x1];
	p0 =	sne.s32 s2, $0x0  }
0xae: {  	s3 =	rddreg [dreg:$0x2];
	[bflag:$0x3] =	sbarrier.arrive $0xFFFF;
	s2 =	simm.s32 @!p0 $0x1C04  }
0xaf: {  	[timem:s3], [sflag:s2] =	dma.local @!p0 [hbm:s0], s1  }
0xb0: {  	s0 =	simm.s32 @!p0 $0x4  }
0xb1: {  	_ =	swait.ge @!p0 [sflag:s0], s1  }
0xb2: {  	s1 =	ssub.s32 @!p0 $0x0, s1;
	[sflag:s0] =	ssyncset.done @!p0 $0x0  }
0xb3: {  	[sflag:s0] =	ssyncadd.s32 @!p0 s1  }
0xb4: {  	[bflag:$0x3] =	sbarrier.arrive $0xFFFF  }
0xb5: {  	_ =	shalt  }

// kernel: kernel.8.cloned.1.call-start
scs
__scs_entry_jumppad:
0x0: {  	(pc) =	sbr.rel $0x88, $3  }
0x1: {  	(tag) =	ssettag $0x0;
	lr =	simm.s32 $0x1  }
0x2: {  	[smem:$0x3F9C] =	sst lr;
	_ =	strace $0xD0000000  }
0x3: {  	_ = 	snop  }
0x4: {  	_ = 	snop  }
0x5: {  	_ = 	snop  }
0x6: {  	_ = 	snop  }
0x7: {  	_ = 	snop  }
__scs_overlays_trampoline_lowered:
0x8: {  	[smem:$0x3FAB] =	sst s0  }
0x9: {  	[smem:$0x3FAC] =	sst s1  }
0xa: {  	[smem:$0x3FAD] =	sst s2  }
0xb: {  	[smem:$0x3FAE] =	sst s3  }
0xc: {  	[smem:$0x3FAF] =	sst s4  }
0xd: {  	[smem:$0x3FB0] =	sst s5  }
0xe: {  	[smem:$0x3FB1] =	sst s6  }
0xf: {  	[smem:$0x3FB2] =	sst s7  }
0x10: {  	[smem:$0x3FB3] =	sst s8  }
0x11: {  	[smem:$0x3FB4] =	sst s9;
	s0 =	simm.s32 @!p0 $0x0  }
0x12: {  	s1 =	sld [smem:$0x3F9A];
	s0 =	simm.s32 @p0 $0x1  }
0x13: {  	[smem:$0x3FB5] =	sst s0;
	s0 =	simm.s32 @!p1 $0x0  }
0x14: {  	s2 =	sld [smem:$0x3F99];
	s0 =	simm.s32 @p1 $0x1  }
0x15: {  	[smem:$0x3FB6] =	sst s0;
	s0 =	simm.s32 @!p2 $0x0  }
0x16: {  	s3 =	sld [smem:$0x3FDB];
	s0 =	simm.s32 @p2 $0x1  }
0x17: {  	s4 =	simm.s32 $0x1BF5;
	[smem:$0x3FB8] =	sst s0  }
0x18: {  	s0 =	sld [smem:$0x3F9B];
	_ =	swait.ge [sflag:s4], $0x0  }
0x19: {  	s7 =	sld [smem:$0x3F9C]  }
0x1a: {  	s8 =	sadd.s32 $0xFFFFE003, lr  }
0x1b: {  	s9 =	sadd.s32 $0xFFFFFEF7, lr;
	s5 =	simm.s32 $0xFFFFFFFF;
	p2 =	slt.u32 s8, $0xFFFFF086  }
0x1c: {  	p1 =	slt.u32 s9, $0xF7A;
	s5 =	simm.s32 @!p2 $0x0  }
0x1d: {  	s5 =	simm.s32 @p1 $0x1;
	p0 =	seq.s32 s7, s2  }
0x1e: {  	s7 =	smul.u32 @!p0 $0xF7A, s2;
	p2 =	seq.s32 @!p0 s5, $0x0  }
0x1f: {  	s9 =	smul.u32 $0xF7A, s1;
	s8 =	simm.s32 @!p0 $0x1BF5;
	p2 =	por !p2, p0  }
0x20: {  	[sflag:s8] =	ssyncset.s32 @!p0 $0xFFFFF086;
	s6 =	sadd.s32 @!p0 s3, s7;
	s7 =	simm.s32 @!p0 $0x108  }
0x21: {  	s3 =	sadd.s32 s3, s9;
	s6 =	sadd.s32 @!p0 $0x88, s6;
	s7 =	simm.s32 @p2 $0x1082  }
0x22: {  	[simem:s7], [sflag:s8] =	dma.local @!p0 [hbm:s6], $0xF7A  }
0x23: {  	s9 =	sor.u32 $0xD0000000, s2;
	s6 =	simm.s32 $0x108;
	_ =	swait.ge @!p0 [sflag:s8], $0x0  }
0x24: {  	s3 =	sadd.s32 $0x88, s3;
	s6 =	simm.s32 @!p1 $0x1082;
	[sflag:s4] =	ssyncset.s32 $0xFFFFF086  }
0x25: {  	[simem:s6], [sflag:s4] =	dma.local [hbm:s3], $0xF7A  }
0x26: {  	[smem:$0x3F9C] =	sst s1;
	(tag) =	ssettag s2;
	_ =	strace s9  }
0x27: {  	s1 =	sld [smem:$0x3FAC]  }
0x28: {  	s2 =	sld [smem:$0x3FAD]  }
0x29: {  	s4 =	sld [smem:$0x3FAF]  }
0x2a: {  	p0 =	seq.s32 s5, $0x0;
	s5 =	sld [smem:$0x3FB0]  }
0x2b: {  	s6 =	sld [smem:$0x3FB1]  }
0x2c: {  	s7 =	sld [smem:$0x3FB2]  }
0x2d: {  	s3 =	simm.s32 $0x108;
	s8 =	sld [smem:$0x3FB3]  }
0x2e: {  	s3 =	simm.s32 @!p0 $0x1082;
	s9 =	sld [smem:$0x3FB4]  }
0x2f: {  	lr =	sadd.s32 s0, s3;
	s0 =	sld [smem:$0x3FAB]  }
0x30: {  	s3 =	sld [smem:$0x3FAE]  }
0x31: {  	[smem:$0x3FB7] =	sst s10  }
0x32: {  	s10 =	sld [smem:$0x3FB5];
	_ =	sdelay $0x3  }
0x33: {  	p0 =	seq.s32 s10, $0x1;
	s10 =	sld [smem:$0x3FB7];
	_ =	sdelay $0x3  }
0x34: {  	[smem:$0x3FB7] =	sst s10  }
0x35: {  	s10 =	sld [smem:$0x3FB6];
	_ =	sdelay $0x3  }
0x36: {  	p1 =	seq.s32 s10, $0x1;
	s10 =	sld [smem:$0x3FB7];
	_ =	sdelay $0x3  }
0x37: {  	[smem:$0x3FB7] =	sst s10  }
0x38: {  	s10 =	sld [smem:$0x3FB8]  }
0x39: {  	_ = 	snop;
	(pc) =	sbr.ind lr, $3  }
0x3a: {  	_ = 	snop  }
0x3b: {  	_ = 	snop  }
0x3c: {  	p2 =	seq.s32 s10, $0x1;
	s10 =	sld [smem:$0x3FB7]  }
0x3d: {  	_ =	shalt  }
0x3e: {  	_ =	shalt  }
0x3f: {  	_ =	shalt  }
0x40: {  	_ =	shalt  }
0x41: {  	_ =	shalt  }
0x42: {  	_ =	shalt  }
0x43: {  	_ =	shalt  }
0x44: {  	_ =	shalt  }
0x45: {  	_ =	shalt  }
0x46: {  	_ =	shalt  }
0x47: {  	_ =	shalt  }
0x48: {  	_ =	shalt  }
0x49: {  	_ =	shalt  }
0x4a: {  	_ =	shalt  }
0x4b: {  	_ =	shalt  }
0x4c: {  	_ =	shalt  }
0x4d: {  	_ =	shalt  }
0x4e: {  	_ =	shalt  }
0x4f: {  	_ =	shalt  }
0x50: {  	_ =	shalt  }
0x51: {  	_ =	shalt  }
0x52: {  	_ =	shalt  }
0x53: {  	_ =	shalt  }
0x54: {  	_ =	shalt  }
0x55: {  	_ =	shalt  }
0x56: {  	_ =	shalt  }
0x57: {  	_ =	shalt  }
0x58: {  	_ =	shalt  }
0x59: {  	_ =	shalt  }
0x5a: {  	_ =	shalt  }
0x5b: {  	_ =	shalt  }
0x5c: {  	_ =	shalt  }
0x5d: {  	_ =	shalt  }
0x5e: {  	_ =	shalt  }
0x5f: {  	_ =	shalt  }
0x60: {  	_ =	shalt  }
0x61: {  	_ =	shalt  }
0x62: {  	_ =	shalt  }
0x63: {  	_ =	shalt  }
0x64: {  	_ =	shalt  }
0x65: {  	_ =	shalt  }
0x66: {  	_ =	shalt  }
0x67: {  	_ =	shalt  }
0x68: {  	_ =	shalt  }
0x69: {  	_ =	shalt  }
0x6a: {  	_ =	shalt  }
0x6b: {  	_ =	shalt  }
0x6c: {  	_ =	shalt  }
0x6d: {  	_ =	shalt  }
0x6e: {  	_ =	shalt  }
0x6f: {  	_ =	shalt  }
0x70: {  	_ =	shalt  }
0x71: {  	_ =	shalt  }
0x72: {  	_ =	shalt  }
0x73: {  	_ =	shalt  }
0x74: {  	_ =	shalt  }
0x75: {  	_ =	shalt  }
0x76: {  	_ =	shalt  }
0x77: {  	_ =	shalt  }
0x78: {  	_ =	shalt  }
0x79: {  	_ =	shalt  }
0x7a: {  	_ =	shalt  }
0x7b: {  	_ =	shalt  }
0x7c: {  	_ =	shalt  }
0x7d: {  	_ =	shalt  }
0x7e: {  	_ =	shalt  }
0x7f: {  	_ =	shalt  }
0x80: {  	_ =	shalt  }
0x81: {  	_ =	shalt  }
0x82: {  	_ =	shalt  }
0x83: {  	_ =	shalt  }
0x84: {  	_ =	shalt  }
0x85: {  	_ =	shalt  }
0x86: {  	_ =	shalt  }
0x87: {  	_ =	shalt  }
.Lfunc_end0:
.L_simem_size_0:
called_computation.1_lowered:
.L_overlay_start_0:
0x88: {  	s2 =	sld [smem:$0x3FD9]  }
0x89: {  	s3 =	sld [smem:$0x3FFE];
	_ =	sdelay $0x1  }
0x8a: {  	s1 =	srdreg.scid  }
0x8b: {  	s0 =	sand.u32 $0x1, s1  }
0x8c: {  	s17 =	sshll.u32 s0, $0xA;
	s2 =	sadd.s32 s3, s2  }
0x8d: {  	s2 =	sadd.s32 s2, s17  }
0x8e: {  	[smem:$0x3FC3] =	sst s2  }
0x8f: {  	_ = 	snop  }
0x90: {  	s2 =	sld [smem:$0x3FD0];
	(tm) =	ssettm $0x1  }
0x91: {  	s18 =	sld [smem:$0x3FFB];
	_ =	sdelay $0x3  }
0x92: {  	_ =	strace s18  }
0x93: {  	s3 =	sld [smem:$0x3FFC];
	_ =	sdelay $0x3  }
0x94: {  	_ =	strace s3  }
0x95: {  	s3 =	sld [smem:$0x3FFD];
	_ =	sdelay $0x3  }
0x96: {  	_ =	strace s3  }
0x97: {  	_ =	strace $0x8FFFFFFF  }
0x98: {  	s19 =	sld [smem:$0x3FDB];
	_ =	sdelay $0x1  }
0x99: {  	s4 =	simm.s32 $_scs_section_size  }
0x9a: {  	s5 =	simm.s32 $_size__tile_overlayer_lowered;
	s6 =	simm.s32 $_tile_overlayer_lowered  }
0x9b: {  	s22 =	simm.s32 $0x1BFF;
	s21 =	sshll.u32 s6, $0x1;
	s3 =	sadd.s32 s4, s19  }
0x9c: {  	s7 =	simm.s32 $0x0;
	s20 =	sshll.u32 s5, $0x1;
	s5 =	sadd.s32 s21, s3  }
0x9d: {  	[timem:s7], [sflag:s22] =	dma.local [hbm:s5], s20  }
0x9e: {  	_ =	swait.ge [sflag:s22], s20  }
0x9f: {  	s4 =	ssub.s32 $0x0, s20;
	[sflag:s22] =	ssyncset.done $0x0  }
0xa0: {  	[sflag:s22] =	ssyncadd.s32 s4;
	_ =	sdelay $0x1  }
0xa1: {  	s23 =	simm.s32 $0x1B8B  }
0xa2: {  	_ =	swait.ge [sflag:s23], $0x1  }
0xa3: {  	[sflag:s23] =	ssyncset.done $0x0  }
0xa4: {  	s25 =	simm.s32 $0x1B8E;
	s24 =	sld [smem:$0x3FFE];
	[sflag:s23] =	ssyncadd.s32 $0xFFFFFFFF  }
0xa5: {  	s26 =	simm.s32 $execute0_lowered;
	[smem:$0x3FD2] =	sst s25  }
0xa6: {  	s5 =	sshll.u32 s26, $0x1;
	_ =	strace $0x80000049;
	[dreg:$0x1] =	wrdreg $0xFFFFFFFF  }
0xa7: {  	s28 =	simm.s32 $_size_execute0_lowered;
	s3 =	sadd.s32 s3, s5;
	[dreg:$0x0] =	wrdreg $0x0  }
0xa8: {  	s5 =	sshll.u32 s28, $0x1;
	[dreg:$0x2] =	wrdreg s3  }
0xa9: {  	[dreg:$0x3] =	wrdreg s5  }
0xaa: {  	[dreg:$0x4] =	wrdreg $0xC0  }
0xab: {  	_ =	task [dreg:s7], $0x5FFFF  }
0xac: {  	[dreg:$0x1] =	wrdreg $0xFFFFFFFF  }
0xad: {  	[dreg:$0x0] =	wrdreg $0x60  }
0xae: {  	[dreg:$0x2] =	wrdreg s24  }
0xaf: {  	[dreg:$0x3] =	wrdreg s2  }
0xb0: {  	[dreg:$0x4] =	wrdreg $0x9  }
0xb1: {  	_ =	task.clear_ibuf [dreg:s7], $0x5FFFF;
	_ =	strace $0x90000049  }
0xb2: {  	s29 =	simm.s32 $0x9;
	_ =	strace $0x8000004B  }
0xb3: {  	_ =	swait.ge [sflag:s29], $0x1  }
0xb4: {  	[sflag:s29] =	ssyncadd.s32 $0xFFFFFFFF  }
0xb5: {  	_ =	strace $0x9000004B  }
0xb6: {  	_ =	sfence  }
0xb7: {  	s30 =	sld [smem:$0x0];
	_ =	sdelay $0x2  }
0xb8: {  	s31 =	sshll.u32 s1, $0xD;
	s1 =	sshrl.u32 s1, $0x2  }
0xb9: {  	s3 =	sand.u32 $0x4000, s31;
	s1 =	sadd.s32 s1, s30  }
0xba: {  	s0 =	sor.u32 s3, s0;
	s1 =	sshll.u32 s1, $0x11  }
0xbb: {  	s0 =	sor.u32 s1, s0  }
0xbc: {  	s0 =	sadd.s32 $0x8F2B, s0  }
0xbd: {  	[sflag:s0] =	ssyncadd.remote.s32 $0x1  }
0xbe: {  	_ =	sfence.sel $0xFFFF  }
0xbf: {  	[dreg:$0x0] =	wrdreg $0xFFFFFFFF;
	(pc) =	sbr.abs _section_cstart, $3  }
0xc0: {  	[dreg:$0x1] =	wrdreg $0xFFFFFFFF  }
0xc1: {  	_ =	task.clear_ibuf [dreg:s7], $0x2FFFF;
	_ =	strace $0x9FFFFFFF  }
0xc2: {  	(tm) =	ssettm $0x7FFFFFFF  }
0xc3: {  	_ =	shalt  }
tec
execute0_lowered:
.L_overlay_start_1:
0x0: {  	(tag) =	ssettag $0x1  }
0x1: {  	s0 =	srdreg.scid  }
0x2: {  	s4 =	rddreg [dreg:$0x0];
	s3 =	sand.u32 $0x1, s0  }
0x3: {  	s8 =	rddreg [dreg:$0x1];
	s0 =	stileid.u32;
	s1 =	sshll.u32 s3, $0x4  }
0x4: {  	s2 =	simm.s32 $0x0;
	s12 =	simm.s32 $0x1;
	s1 =	sor.u32 s0, s1  }
0x5: {  	s13 =	simm.s32 $0x111E0;
	s14 =	simm.s32 $0x2;
	s5 =	smul.u32 $0x139, s1  }
0x6: {  	s15 =	simm.s32 $0x0;
	[smem:$0x7FF] =	sst s2;
	s3 =	ssub.s32 $0x2, s3  }
0x7: {  	s6 =	sshrl.u32 s3, $0x1;
	s1 =	rddreg [dreg:$0x2];
	s5 =	smin.u32 s5, $0x25D7  }
0x8: {  	_ =	strace $0x8000004A;
	s9 =	sshll.u32 s5, $0x3;
	s5 =	sshll.u32 s5, $0x1  }
0x9: {  	s11 =	ssub.s32 s3, s6;
	s7 =	sadd.s32 s9, s4;
	s10 =	sadd.s32 s5, s4  }
0xa: {  	s8 =	sadd.s32 s8, s9;
	s9 =	smax.u32 s11, $0x1;
	s11 =	simm.s32 $0xC3A0  }
0xb: {  	s3 =	sadd.s32 $0x15000, s7;
	s4 =	sadd.s32 $0x28C00, s7;
	s5 =	sadd.s32 $0x3C800, s10  }
0xc: {  	s6 =	sadd.s32 $0x41700, s10;
	s7 =	sadd.s32 $0x46600, s7;
	s10 =	simm.s32 $0x4E40  }
.LBB2_1:
0xd: {  	[tilespmem:s2], [sflag:$0x1] =	stream.linear.gather [hbm4b:s3+s2], $0x4E40, $0x38;
	[tilespmem:$0x16020] =	vst v63  }
0xe: {  	_ = 	snop  }
0xf: {  	[tilespmem:s10], [sflag:$0x1] =	stream.linear.gather [hbm4b:s4+s2], $0x4E40, $0x38;
	[tilespmem:$0x16020] =	vst v63  }
0x10: {  	s16 =	simm.s32 $0x9C80  }
0x11: {  	[tilespmem:s16], [sflag:$0x1] =	stream.linear.gather [hbm4b:s5+s2], $0x1390, $0x38;
	[tilespmem:$0x16020] =	vst v63  }
0x12: {  	s17 =	simm.s32 $0xB010  }
0x13: {  	[tilespmem:s17], [sflag:$0x1] =	stream.linear.gather [hbm4b:s6+s2], $0x1390, $0x38;
	[tilespmem:$0x16020] =	vst v63  }
0x14: {  	_ = 	snop  }
0x15: {  	[tilespmem:s11], [sflag:$0x1] =	stream.linear.gather [hbm4b:s7+s2], $0x4E40, $0x38;
	[tilespmem:$0x16020] =	vst v63  }
0x16: {  	_ =	swait.ge [sflag:s12], $0x4E40  }
0x17: {  	[sflag:s12] =	ssyncset.done $0x0  }
0x18: {  	[sflag:s12] =	ssyncadd.s32 $0xFFFFB1C0  }
0x19: {  	_ =	swait.ge [sflag:s12], $0x4E40  }
0x1a: {  	[sflag:s12] =	ssyncset.done $0x0  }
0x1b: {  	[sflag:s12] =	ssyncadd.s32 $0xFFFFB1C0  }
0x1c: {  	_ =	swait.ge [sflag:s12], $0x1390  }
0x1d: {  	[sflag:s12] =	ssyncset.done $0x0  }
0x1e: {  	[sflag:s12] =	ssyncadd.s32 $0xFFFFEC70  }
0x1f: {  	_ =	swait.ge [sflag:s12], $0x1390  }
0x20: {  	[sflag:s12] =	ssyncset.done $0x0  }
0x21: {  	[sflag:s12] =	ssyncadd.s32 $0xFFFFEC70  }
0x22: {  	_ =	swait.ge [sflag:s12], $0x4E40  }
0x23: {  	[sflag:s12] =	ssyncset.done $0x0  }
0x24: {  	[sflag:s12] =	ssyncadd.s32 $0xFFFFB1C0  }
0x25: {  	v0 =	vld [tilespmem:s17+$0x0]  }
0x26: {  	s19 =	simm.s32 $0x100;
	s18 =	simm.s32 $0x0;
	v1 =	vld [tilespmem:s16+$0x0]  }
.LBB2_2:
0x27: {  	p0 =	sne.s32 s19, $0x13800;
	_ =	sdelay $0x2  }
0x28: {  	s20 =	sshra.s32 s18, $0x2;
	s18 =	smov.u32 s19  }
0x29: {  	v0 =	vadd.f32 v0, v1;
	v1 =	vld [tilespmem:s20+$0x0]  }
0x2a: {  	v2 =	vld [tilespmem:s20+$0x4E40]  }
0x2b: {  	v0 =	vmax.f32 v0, $1.000000000e+00;
	v3 =	vld [tilespmem:s20+$0x10]  }
0x2c: {  	v4 =	vld [tilespmem:s20+$0x4E50];
	(erf) = vrcp.f32 v0  }
0x2d: {  	v0 =	vld [tilespmem:s20+$0x20]  }
0x2e: {  	v5 =	vld [tilespmem:s20+$0x4E60]  }
0x2f: {  	v6 =	vld [tilespmem:s20+$0x30]  }
0x30: {  	v7 =	vld [tilespmem:s20+$0x4E70]  }
0x31: {  	v8 =	vld [tilespmem:s20+$0xC3A0]  }
0x32: {  	v9 =	vld [tilespmem:s20+$0xC3B0]  }
0x33: {  	v10 =	vld [tilespmem:s20+$0xC3C0]  }
0x34: {  	v1 =	vadd.f32 v2, v1;
	v2 =	vadd.f32 v4, v3;
	v3 =	vld [tilespmem:s20+$0xC3D0]  }
0x35: {  	v0 =	vadd.f32 v5, v0;
	v4 =	vadd.f32 v7, v6;
	v5 =	vpop (erf)  }
0x36: {  	v1 =	vmul.f32 v5, v1;
	v2 =	vmul.f32 v2, v5  }
0x37: {  	v0 =	vmul.f32 v0, v5;
	v4 =	vmul.f32 v4, v5  }
0x38: {  	v1 =	vadd.f32 v1, v8;
	v2 =	vadd.f32 v2, v9  }
0x39: {  	v0 =	vadd.f32 v0, v10;
	v3 =	vadd.f32 v4, v3  }
0x3a: {  	[tilespmem:s20+$0x111E0] =	vst v1  }
.Ltmp0:
0x3b: {  	[tilespmem:s20+$0x111F0] =	vst v2;
	(pc) =	sbr.rel @p0 .LBB2_2-.Ltmp0, $4  }
0x3c: {  	[tilespmem:s20+$0x11200] =	vst v0  }
0x3d: {  	s17 =	sadd.s32 $0x10, s17;
	[tilespmem:s20+$0x11210] =	vst v3  }
0x3e: {  	s16 =	sadd.s32 $0x10, s16;
	v0 =	vld [tilespmem:s17+$0x0]  }
0x3f: {  	s19 =	sadd.s32 $0x100, s19;
	v1 =	vld [tilespmem:s16+$0x0]  }
0x40: {  	_ =	sdelay $0x3  }
0x41: {  	v0 =	vadd.f32 v0, v1  }
0x42: {  	s16 =	sshra.s32 s18, $0x2  }
0x43: {  	v58 =	vld [tilespmem:s16+$0x0];
	v0 =	vmax.f32 v0, $1.000000000e+00  }
0x44: {  	v2 =	vld [tilespmem:s16+$0x4E40];
	(erf) = vrcp.f32 v0  }
0x45: {  	v59 =	vld [tilespmem:s16+$0x10]  }
0x46: {  	v3 =	vld [tilespmem:s16+$0x4E50]  }
0x47: {  	v4 =	vld [tilespmem:s16+$0x20]  }
0x48: {  	v5 =	vld [tilespmem:s16+$0x4E60]  }
0x49: {  	v6 =	vld [tilespmem:s16+$0x30]  }
0x4a: {  	v7 =	vld [tilespmem:s16+$0x4E70]  }
0x4b: {  	v8 =	vld [tilespmem:s16+$0xC3A0]  }
0x4c: {  	v9 =	vld [tilespmem:s16+$0xC3B0];
	v1 =	vadd.f32 v2, v58  }
0x4d: {  	v60 =	vld [tilespmem:s16+$0xC3C0];
	v0 =	vadd.f32 v3, v59;
	v61 =	vpop (erf)  }
0x4e: {  	v10 =	vld [tilespmem:s16+$0xC3D0];
	v4 =	vadd.f32 v5, v4;
	v1 =	vmul.f32 v61, v1  }
0x4f: {  	v62 =	vadd.f32 v7, v6;
	v0 =	vmul.f32 v0, v61  }
0x50: {  	v4 =	vmul.f32 v4, v61;
	v1 =	vadd.f32 v1, v8  }
0x51: {  	v3 =	vmul.f32 v62, v61;
	v0 =	vadd.f32 v0, v9  }
0x52: {  	v2 =	vadd.f32 v4, v60;
	[tilespmem:s16+$0x111E0] =	vst v1  }
0x53: {  	s15 =	sadd.s32 $0x1, s15;
	v63 =	vadd.f32 v3, v10;
	[tilespmem:s16+$0x111F0] =	vst v0  }
0x54: {  	p0 =	sne.s32 s15, s9;
	[tilespmem:s16+$0x11200] =	vst v2  }
.Ltmp1:
0x55: {  	[tilespmem:s16+$0x11210] =	vst v63;
	(pc) =	sbr.rel @p0 .LBB2_1-.Ltmp1, $4  }
0x56: {  	[hbm4b:s8+s2] =	stream.linear.scatter [tilespmem:s13], [sflag:$0x2], $0x4E40, $0x38;
	[tilespmem:$0x16020] =	vst v63  }
0x57: {  	_ =	swait.ge [sflag:s14], $0x4E40  }
0x58: {  	[sflag:s14] =	ssyncset.done $0x0  }
0x59: {  	[sflag:s14] =	ssyncadd.s32 $0xFFFFB1C0  }
0x5a: {  	_ =	sfence.sel $0x180000  }
0x5b: {  	[bflag:$0x0] =	sbarrier.arrive $0xFFFF  }
0x5c: {  	p0 =	sne.s32 s0, $0x0;
	_ =	strace $0x9000004A  }
0x5d: {  	s0 =	sadd.s32 @!p0 $0x100000, s1;
	[bflag:$0x2] =	sbarrier.arrive $0xFFFF  }
0x5e: {  	[sflag:s0] =	ssyncadd.tile.s32 @!p0 $0x1;
	_ =	shalt  }
.Lfunc_end2:
_tile_overlayer_lowered:
.L_overlay_start_2:
0x5f: {  	(tag) =	ssettag $0x2  }
0x60: {  	s0 =	rddreg [dreg:$0x0];
	s2 =	stileid.u32  }
0x61: {  	s1 =	rddreg [dreg:$0x1];
	p0 =	sne.s32 s2, $0x0  }
0x62: {  	s3 =	rddreg [dreg:$0x2];
	[bflag:$0x3] =	sbarrier.arrive $0xFFFF;
	s2 =	simm.s32 @!p0 $0x1C02  }
0x63: {  	[timem:s3], [sflag:s2] =	dma.local @!p0 [hbm:s0], s1  }
0x64: {  	s0 =	simm.s32 @!p0 $0x2  }
0x65: {  	_ =	swait.ge @!p0 [sflag:s0], s1  }
0x66: {  	s1 =	ssub.s32 @!p0 $0x0, s1;
	[sflag:s0] =	ssyncset.done @!p0 $0x0  }
0x67: {  	[sflag:s0] =	ssyncadd.s32 @!p0 s1  }
0x68: {  	[bflag:$0x3] =	sbarrier.arrive $0xFFFF  }
0x69: {  	_ =	shalt  }

</sc_bundles>
